<compile_context>
chip_gen: v7x
topology: tpu7x:2x2x1
jax: 0.10.2.dev20260603
libtpu: 0.0.44.dev20260713+nightly
codegen_flags: <defaults>
</compile_context>

<pallas_src>
import functools

import jax
import jax.numpy as jnp
from jax import lax
from jax.experimental import pallas as pl
from jax.experimental.pallas import tpu as pltpu
from jax.experimental.pallas import tpu_sc as plsc

N_NODES_C = 10000
D_C = 128
G_C = 64

NC = 2
NS = 16
K_EDGE = 128
N_PAD = 10240
ROWS_PER_TILE = N_PAD // NS

_MESH = plsc.VectorSubcoreMesh(core_axis_name="c", subcore_axis_name="s")


def _wid(c, s):
    return s * NC + c


def _sc_deg(dst3, ones_hbm, zeros16_hbm, n_chunks):
    @functools.partial(
        pl.kernel,
        out_type=jax.ShapeDtypeStruct((NC, N_PAD, D_C), jnp.float32),
        mesh=_MESH,
        scratch_types=[
            pltpu.VMEM((n_chunks, K_EDGE), jnp.int32),
            pltpu.VMEM((K_EDGE, D_C), jnp.float32),
            pltpu.VMEM_SHARED((N_PAD, D_C), jnp.float32),
        ],
    )
    def k(dst_hbm, ones_h, zeros_h, out_hbm, idx_v, ones_v, acc):
        c = lax.axis_index("c")
        s = lax.axis_index("s")
        w = _wid(c, s)
        row0 = s * ROWS_PER_TILE
        pltpu.sync_copy(zeros_h, acc.at[pl.ds(row0, ROWS_PER_TILE)])
        pltpu.sync_copy(ones_h, ones_v)
        pltpu.sync_copy(dst_hbm.at[w, pl.ds(0, n_chunks)], idx_v)
        plsc.subcore_barrier()

        def body(i):
            pltpu.sync_copy(ones_v, acc.at[idx_v.at[i]], add=True)

        pl.loop(0, n_chunks)(body)
        plsc.subcore_barrier()
        pltpu.sync_copy(acc.at[pl.ds(row0, ROWS_PER_TILE)],
                        out_hbm.at[c, pl.ds(row0, ROWS_PER_TILE)])

    return k(dst3, ones_hbm, zeros16_hbm)


EPC = 128


def _sc_agg(h, idx_flat, zerosd_hbm, nc0, nc1):
    blk = 2 * EPC

    @functools.partial(
        pl.kernel,
        out_type=jax.ShapeDtypeStruct((NC, N_PAD, D_C), jnp.float32),
        mesh=_MESH,
        scratch_types=[
            pltpu.VMEM((nc0 * blk,), jnp.int32),
            pltpu.VMEM((EPC, D_C), jnp.float32),
            pltpu.VMEM_SHARED((N_PAD, D_C), jnp.float32),
            pltpu.SemaphoreType.DMA,
        ],
    )
    def k(h_hbm, idx_hbm, zeros_h, out_hbm, idxv, stage, acc, sem):
        c = lax.axis_index("c")
        s = lax.axis_index("s")
        row0 = s * ROWS_PER_TILE
        base = jnp.where(c == 0, s * nc0 * blk,
                         (NS * nc0 + s * nc1) * blk)
        nc = jnp.where(c == 0, nc0, nc1)

        pltpu.sync_copy(zeros_h, acc.at[pl.ds(row0, ROWS_PER_TILE)])
        pltpu.sync_copy(idx_hbm.at[pl.ds(base, nc0 * blk)], idxv)
        plsc.subcore_barrier()

        def body(j):
            pltpu.async_copy(
                h_hbm.at[idxv.at[pl.ds(j * blk, EPC)]], stage, sem).wait()
            pltpu.sync_copy(
                stage, acc.at[idxv.at[pl.ds(j * blk + EPC, EPC)]], add=True)

        pl.loop(0, nc)(body)
        plsc.subcore_barrier()
        pltpu.sync_copy(acc.at[pl.ds(row0, ROWS_PER_TILE)],
                        out_hbm.at[c, pl.ds(row0, ROWS_PER_TILE)])

    return k(h, idx_flat, zerosd_hbm)


_BLK = 1024


def _dinv_from_parts(p_blk):
    deg = p_blk[0, :, 0:1] + p_blk[1, :, 0:1] + 1.0
    return lax.rsqrt(deg)


def _tc_first(deg_parts, x, W1):
    def body(dp_ref, x_ref, w_ref, o_ref):
        dinv = _dinv_from_parts(dp_ref[...])
        h = jnp.dot(x_ref[...], w_ref[...], preferred_element_type=jnp.float32)
        o_ref[...] = h * dinv

    return pl.pallas_call(
        body,
        out_shape=jax.ShapeDtypeStruct((N_PAD, D_C), jnp.float32),
        grid=(N_PAD // _BLK,),
        in_specs=[
            pl.BlockSpec((NC, _BLK, D_C), lambda i: (0, i, 0)),
            pl.BlockSpec((_BLK, D_C), lambda i: (i, 0)),
            pl.BlockSpec((D_C, D_C), lambda i: (0, 0)),
        ],
        out_specs=pl.BlockSpec((_BLK, D_C), lambda i: (i, 0)),
    )(deg_parts, x, W1)


def _tc_mid(parts, h_prev, deg_parts, W, b_prev):
    def body(p_ref, hp_ref, dp_ref, w_ref, b_ref, o_ref):
        dinv = _dinv_from_parts(dp_ref[...])
        agg = p_ref[0] + p_ref[1] + hp_ref[...]
        r = jnp.maximum(agg * dinv + b_ref[...], 0.0)
        o_ref[...] = jnp.dot(r, w_ref[...], preferred_element_type=jnp.float32) * dinv

    return pl.pallas_call(
        body,
        out_shape=jax.ShapeDtypeStruct((N_PAD, D_C), jnp.float32),
        grid=(N_PAD // _BLK,),
        in_specs=[
            pl.BlockSpec((NC, _BLK, D_C), lambda i: (0, i, 0)),
            pl.BlockSpec((_BLK, D_C), lambda i: (i, 0)),
            pl.BlockSpec((NC, _BLK, D_C), lambda i: (0, i, 0)),
            pl.BlockSpec((D_C, D_C), lambda i: (0, 0)),
            pl.BlockSpec((1, D_C), lambda i: (0, 0)),
        ],
        out_specs=pl.BlockSpec((_BLK, D_C), lambda i: (i, 0)),
    )(parts, h_prev, deg_parts, W, b_prev.reshape(1, D_C))


def _tc_final(parts, h_prev, deg_parts, b3, batch2d):
    ngrid = N_PAD // _BLK

    def body(p_ref, hp_ref, dp_ref, b_ref, bat_ref, o_ref, sums, counts):
        i = pl.program_id(0)

        @pl.when(i == 0)
        def _():
            sums[...] = jnp.zeros_like(sums)
            counts[...] = jnp.zeros_like(counts)

        dinv = _dinv_from_parts(dp_ref[...])
        out3 = (p_ref[0] + p_ref[1] + hp_ref[...]) * dinv + b_ref[...]
        lane = lax.broadcasted_iota(jnp.int32, (_BLK, D_C), 1)
        onehot = jnp.where((bat_ref[...] == lane) & (lane < G_C), 1.0, 0.0)
        sums[...] += lax.dot_general(
            onehot, out3, (((0,), (0,)), ((), ())),
            preferred_element_type=jnp.float32)
        counts[...] += lax.dot_general(
            onehot, jnp.ones((_BLK, D_C), jnp.float32), (((0,), (0,)), ((), ())),
            preferred_element_type=jnp.float32)

        @pl.when(i == ngrid - 1)
        def _():
            o_ref[...] = sums[0:G_C] / jnp.maximum(counts[0:G_C], 1.0)

    return pl.pallas_call(
        body,
        out_shape=jax.ShapeDtypeStruct((G_C, D_C), jnp.float32),
        grid=(ngrid,),
        in_specs=[
            pl.BlockSpec((NC, _BLK, D_C), lambda i: (0, i, 0)),
            pl.BlockSpec((_BLK, D_C), lambda i: (i, 0)),
            pl.BlockSpec((NC, _BLK, D_C), lambda i: (0, i, 0)),
            pl.BlockSpec((1, D_C), lambda i: (0, 0)),
            pl.BlockSpec((_BLK, D_C), lambda i: (i, 0)),
        ],
        out_specs=pl.BlockSpec((G_C, D_C), lambda i: (0, 0)),
        scratch_shapes=[
            pltpu.VMEM((D_C, D_C), jnp.float32),
            pltpu.VMEM((D_C, D_C), jnp.float32),
        ],
        compiler_params=pltpu.CompilerParams(
            dimension_semantics=("arbitrary",)),
    )(parts, h_prev, deg_parts, b3.reshape(1, D_C), batch2d)


def kernel(x, edge_index, batch_index, W1, b1, W2, b2, W3, b3):
    n, d = x.shape
    e = edge_index.shape[1]
    tiles = NC * NS

    n_deg = -(-e // (tiles * K_EDGE))
    n_deg = -(-n_deg // 8) * 8
    e_pad = tiles * n_deg * K_EDGE
    dst = jnp.concatenate(
        [edge_index[1], jnp.full((e_pad - e,), n, jnp.int32)]).reshape(
            tiles, n_deg, K_EDGE)

    frac0 = 0.60
    nc0 = -(-int(e * frac0) // (NS * EPC))
    nc1 = -(-(e - NS * EPC * nc0) // (NS * EPC))
    e0 = NS * EPC * nc0
    e_pad2 = e0 + NS * EPC * nc1
    src2 = jnp.concatenate(
        [edge_index[0], jnp.zeros((e_pad2 - e,), jnp.int32)])
    dst2 = jnp.concatenate(
        [edge_index[1], jnp.full((e_pad2 - e,), n, jnp.int32)])

    def interleave(sv, dv, nc):
        m = sv.shape[0] // (nc * EPC)
        return jnp.stack([sv.reshape(m, nc, EPC), dv.reshape(m, nc, EPC)],
                         axis=2).reshape(-1)

    idx_flat = jnp.concatenate([
        interleave(src2[:e0], dst2[:e0], nc0),
        interleave(src2[e0:], dst2[e0:], nc1),
        jnp.zeros(((nc0 - nc1) * 2 * EPC,), jnp.int32),
    ])

    x_pad = jnp.zeros((N_PAD, d), x.dtype).at[0:n].set(x)
    batch_pad = jnp.full((N_PAD,), G_C, jnp.int32).at[0:n].set(batch_index)
    batch2d = jnp.broadcast_to(batch_pad[:, None], (N_PAD, D_C))

    ones128 = jnp.ones((K_EDGE, D_C), jnp.float32)
    
    zerosd = jnp.zeros((ROWS_PER_TILE, D_C), jnp.float32)

    deg_parts = _sc_deg(dst, ones128, zerosd, n_deg)
    h1 = _tc_first(deg_parts, x_pad, W1)
    p1 = _sc_agg(h1, idx_flat, zerosd, nc0, nc1)
    h2 = _tc_mid(p1, h1, deg_parts, W2, b1)
    p2 = _sc_agg(h2, idx_flat, zerosd, nc0, nc1)
    h3 = _tc_mid(p2, h2, deg_parts, W3, b2)
    p3 = _sc_agg(h3, idx_flat, zerosd, nc0, nc1)
    return _tc_final(p3, h3, deg_parts, b3, batch2d)

# --- scband reference (transcript-rebuilt; emitter-appended) ---
"""Pipeline reference for scband-gcn2-68358699483283 (READ-ONLY COPY).

The authoritative reference and input builder live on the scoring server;
editing this copy changes nothing except your own understanding.
"""

import jax, jax.numpy as jnp
import numpy as np

N_NODES = 10000
N_EDGES = 320000
D_IN = 128
D_HID = 128
D_OUT = 128
N_GRAPHS = 64


def setup_inputs(seed: int = 0) -> dict:
    key = jax.random.key(seed)
    ks = jax.random.split(key, 10)
    x = jax.random.normal(ks[0], (N_NODES, D_IN), dtype=jnp.float32)
    edge_index = jax.random.randint(ks[1], (2, N_EDGES), 0, N_NODES, dtype=jnp.int32)
    batch_index = jnp.sort(jax.random.randint(ks[2], (N_NODES,), 0, N_GRAPHS, dtype=jnp.int32))
    def glorot(k, fan_in, fan_out):
        s = jnp.sqrt(6.0 / (fan_in + fan_out))
        return jax.random.uniform(k, (fan_in, fan_out), dtype=jnp.float32, minval=-s, maxval=s)
    W1 = glorot(ks[3], D_IN, D_HID)
    b1 = jnp.zeros((D_HID,), dtype=jnp.float32)
    W2 = glorot(ks[4], D_HID, D_HID)
    b2 = jnp.zeros((D_HID,), dtype=jnp.float32)
    W3 = glorot(ks[5], D_HID, D_OUT)
    b3 = jnp.zeros((D_OUT,), dtype=jnp.float32)
    return {"x": x, "edge_index": edge_index, "batch_index": batch_index,
            "W1": W1, "b1": b1, "W2": W2, "b2": b2, "W3": W3, "b3": b3}


def _gcn_conv(x, src, dst, W, b, n_nodes):
    # GCNConv: out = D^{-1/2} (A + I) D^{-1/2} X W + b  (symmetric normalization, self-loops)
    h = x @ W
    deg = jnp.zeros((n_nodes,), dtype=jnp.float32).at[dst].add(1.0)
    dinv = jnp.where(deg > 0, 1.0 / jnp.sqrt(deg), 0.0)
    norm = dinv[src] * dinv[dst]
    msg = jnp.take(h, src, axis=0) * norm[:, None]
    out = jnp.zeros((n_nodes, h.shape[1]), dtype=h.dtype).at[dst].add(msg)
    return out + b


def reference(x, edge_index, batch_index, W1, b1, W2, b2, W3, b3):
    n = x.shape[0]
    loops = jnp.arange(n, dtype=edge_index.dtype)
    src = jnp.concatenate([edge_index[0], loops])
    dst = jnp.concatenate([edge_index[1], loops])
    h = _gcn_conv(x, src, dst, W1, b1, n)
    h = jax.nn.relu(h)
    # dropout is identity in eval mode
    h = _gcn_conv(h, src, dst, W2, b2, n)
    h = jax.nn.relu(h)
    h = _gcn_conv(h, src, dst, W3, b3, n)
    # scatter mean pooling over batch_index
    sums = jax.ops.segment_sum(h, batch_index, num_segments=N_GRAPHS)
    counts = jax.ops.segment_sum(jnp.ones((n,), dtype=h.dtype), batch_index, num_segments=N_GRAPHS)
    out = sums / jnp.maximum(counts, 1.0)[:, None]
    return out

if __name__ == "__main__":
    import jax
    _d = setup_inputs()
    print(jax.jit(kernel)(*tuple(_d.values())))

</pallas_src>

<mosaic_0001>
#map = affine_map<(d0, d1) -> (0, 0)>
#map1 = affine_map<(d0, d1) -> (0)>
#map2 = affine_map<(d0, d1) -> (0, 0, 0)>
module attributes {stable_mosaic.version = 14 : i64} {
  func.func @k(%arg0: i32, %arg1: i32, %arg2: memref<10240x128xf32, #tpu.memory_space<hbm>>, %arg3: memref<651008xi32, #tpu.memory_space<hbm>>, %arg4: memref<640x128xf32, #tpu.memory_space<hbm>>, %arg5: memref<2x10240x128xf32, #tpu.memory_space<hbm>>, %arg6: memref<24064xi32, #tpu.memory_space<vmem>>, %arg7: memref<128x128xf32, #tpu.memory_space<vmem>>, %arg8: memref<10240x128xf32, #tpu.memory_space<vmem_shared>>, %arg9: memref<!tpu.dma_semaphore, #tpu.memory_space<semaphore_mem>>) attributes {dimension_semantics = [#tpu.dimension_semantics<core_parallel>, #tpu.dimension_semantics<subcore_parallel>], iteration_bounds = array<i64: 2, 16>, scalar_prefetch = 0 : i64, scratch_operands = 4 : i64, tpu.core_type = #tpu.core_type<sc_vector_subcore>, window_params = [{transform_indices = #map}, {transform_indices = #map1}, {transform_indices = #map}, {transform_indices = #map2}]} {
    %mul3A = arith.constant 640 : i32
    %mul3A_0 = arith.muli %arg1, %mul3A : i32
    %eq3A = arith.constant 0 : i32
    %eq3A_1 = arith.cmpi eq, %arg0, %eq3A : i32
    %mul3A_2 = arith.constant 94 : i32
    %mul3A_3 = arith.muli %arg1, %mul3A_2 : i32
    %mul3A_4 = arith.constant 256 : i32
    %mul3A_5 = arith.muli %mul3A_3, %mul3A_4 : i32
    %mul3A_6 = arith.constant 63 : i32
    %mul3A_7 = arith.muli %arg1, %mul3A_6 : i32
    %add3A = arith.constant 1504 : i32
    %add3A_8 = arith.addi %add3A, %mul3A_7 : i32
    %mul3A_9 = arith.constant 256 : i32
    %mul3A_10 = arith.muli %add3A_8, %mul3A_9 : i32
    %select_n3A = arith.select %eq3A_1, %mul3A_5, %mul3A_10 : i32
    %eq3A_11 = arith.constant 0 : i32
    %eq3A_12 = arith.cmpi eq, %arg0, %eq3A_11 : i32
    %jit3A = arith.constant 94 : i32
    %jit3A_13 = arith.constant 63 : i32
    %select_n3A_14 = arith.select %eq3A_12, %jit3A, %jit3A_13 : i32
    "tpu.region"() ({
      %run_scoped3A = tpu.sem_alloc : memref<!tpu.dma_semaphore, #tpu.memory_space<semaphore_mem>>
      %dma_start3A = arith.constant 0 : i32
      %dma_start3A_32 = tpu.memref_slice %arg8[%mul3A_0, %dma_start3A] : memref<10240x128xf32, #tpu.memory_space<vmem_shared>> -> memref<640x128xf32, #tpu.memory_space<vmem_shared>>
      tpu.enqueue_dma source(%arg4 : memref<640x128xf32, #tpu.memory_space<hbm>>) target(%dma_start3A_32 : memref<640x128xf32, #tpu.memory_space<vmem_shared>>) target_semaphore(%run_scoped3A : memref<!tpu.dma_semaphore, #tpu.memory_space<semaphore_mem>>)
      %dma_wait3A = arith.constant 0 : i32
      %dma_wait3A_33 = tpu.memref_slice %arg8[%mul3A_0, %dma_wait3A] : memref<10240x128xf32, #tpu.memory_space<vmem_shared>> -> memref<640x128xf32, #tpu.memory_space<vmem_shared>>
      tpu.wait_dma2 semaphore(%run_scoped3A : memref<!tpu.dma_semaphore, #tpu.memory_space<semaphore_mem>>) src(%arg4 : memref<640x128xf32, #tpu.memory_space<hbm>>) dst(%dma_wait3A_33 : memref<640x128xf32, #tpu.memory_space<vmem_shared>>)
      tpu.yield
    }) : () -> ()
    "tpu.region"() ({
      %run_scoped3A = tpu.sem_alloc : memref<!tpu.dma_semaphore, #tpu.memory_space<semaphore_mem>>
      %dma_start3A = tpu.memref_slice %arg3[%select_n3A] : memref<651008xi32, #tpu.memory_space<hbm>> -> memref<24064xi32, #tpu.memory_space<hbm>>
      %dma_start3A_32 = tpu.memref_slice %arg3[%select_n3A] : memref<651008xi32, #tpu.memory_space<hbm>> -> memref<24064xi32, #tpu.memory_space<hbm>>
      tpu.enqueue_dma source(%dma_start3A_32 : memref<24064xi32, #tpu.memory_space<hbm>>) target(%arg6 : memref<24064xi32, #tpu.memory_space<vmem>>) target_semaphore(%run_scoped3A : memref<!tpu.dma_semaphore, #tpu.memory_space<semaphore_mem>>)
      %dma_wait3A = tpu.memref_slice %arg3[%select_n3A] : memref<651008xi32, #tpu.memory_space<hbm>> -> memref<24064xi32, #tpu.memory_space<hbm>>
      %dma_wait3A_33 = tpu.memref_slice %arg3[%select_n3A] : memref<651008xi32, #tpu.memory_space<hbm>> -> memref<24064xi32, #tpu.memory_space<hbm>>
      tpu.wait_dma2 semaphore(%run_scoped3A : memref<!tpu.dma_semaphore, #tpu.memory_space<semaphore_mem>>) src(%dma_wait3A_33 : memref<24064xi32, #tpu.memory_space<hbm>>) dst(%arg6 : memref<24064xi32, #tpu.memory_space<vmem>>)
      tpu.yield
    }) : () -> ()
    %barrier3A = arith.constant 0 : index
    tpu.barrier barrier_id(%barrier3A)
    %sub3A = arith.constant 0 : i32
    %sub3A_15 = arith.subi %select_n3A_14, %sub3A : i32
    %sub3A_16 = arith.constant 1 : i32
    %sub3A_17 = arith.constant 1 : i32
    %sub3A_18 = arith.subi %sub3A_16, %sub3A_17 : i32
    %add3A_19 = arith.addi %sub3A_15, %sub3A_18 : i32
    %div3A = arith.constant 1 : i32
    %div3A_20 = arith.divsi %add3A_19, %div3A : i32
    %while3A = arith.constant 1 : i32
    %while3A_21 = arith.constant 0 : i32
    %while3A_22 = arith.constant 0 : i32
    %while3A_23 = arith.subi %div3A_20, %while3A_22 : i32
    %while3A_24 = arith.addi %while3A_22, %while3A_23 : i32
    %while3A_25 = arith.constant 1 : i32
    %while3A_26 = arith.divsi %while3A_23, %while3A_25 : i32
    %while3A_27 = arith.muli %while3A_26, %while3A_25 : i32
    %while3A_28 = arith.addi %while3A_22, %while3A_27 : i32
    %while3A_29 = arith.constant 1 : i32
    scf.for %while3A_32 = %while3A_22 to %while3A_28 step %while3A_29  : i32 {
      %mul3A_33 = arith.muli %while3A_32, %while3A : i32
      %add3A_34 = arith.addi %while3A_21, %mul3A_33 : i32
      %mul3A_35 = arith.constant 256 : i32
      %mul3A_36 = arith.muli %add3A_34, %mul3A_35 : i32
      %dma_start3A = tpu.memref_slice %arg6[%mul3A_36] : memref<24064xi32, #tpu.memory_space<vmem>> -> memref<128xi32, #tpu.memory_space<vmem>>
      %dma_start3A_37 = arith.constant 0 : i32
      %dma_start3A_38 = arith.constant 0 : i32
      %dma_start3A_39 = tpu.memref_slice %arg2[%dma_start3A_37, %dma_start3A_38] : memref<10240x128xf32, #tpu.memory_space<hbm>> -> memref<10240x128xf32, #tpu.memory_space<hbm>>
      tpu.enqueue_indirect_dma source(%dma_start3A_39 : memref<10240x128xf32, #tpu.memory_space<hbm>>) target(%arg7 : memref<128x128xf32, #tpu.memory_space<vmem>>) offsets(%dma_start3A : memref<128xi32, #tpu.memory_space<vmem>>) semaphore(%arg9 : memref<!tpu.dma_semaphore, #tpu.memory_space<semaphore_mem>>)
      %dma_wait3A = tpu.memref_slice %arg6[%mul3A_36] : memref<24064xi32, #tpu.memory_space<vmem>> -> memref<128xi32, #tpu.memory_space<vmem>>
      %dma_wait3A_40 = arith.constant 0 : i32
      %dma_wait3A_41 = arith.constant 0 : i32
      %dma_wait3A_42 = tpu.memref_slice %arg2[%dma_wait3A_40, %dma_wait3A_41] : memref<10240x128xf32, #tpu.memory_space<hbm>> -> memref<10240x128xf32, #tpu.memory_space<hbm>>
      tpu.wait_indirect_dma semaphore(%arg9 : memref<!tpu.dma_semaphore, #tpu.memory_space<semaphore_mem>>) src(%dma_wait3A_42 : memref<10240x128xf32, #tpu.memory_space<hbm>>) dst(%arg7 : memref<128x128xf32, #tpu.memory_space<vmem>>)
      %mul3A_43 = arith.constant 256 : i32
      %mul3A_44 = arith.muli %add3A_34, %mul3A_43 : i32
      %add3A_45 = arith.constant 128 : i32
      %add3A_46 = arith.addi %mul3A_44, %add3A_45 : i32
      "tpu.region"() ({
        %run_scoped3A = tpu.sem_alloc : memref<!tpu.dma_semaphore, #tpu.memory_space<semaphore_mem>>
        %dma_start3A_47 = tpu.memref_slice %arg6[%add3A_46] : memref<24064xi32, #tpu.memory_space<vmem>> -> memref<128xi32, #tpu.memory_space<vmem>>
        %dma_start3A_48 = arith.constant 0 : i32
        %dma_start3A_49 = arith.constant 0 : i32
        %dma_start3A_50 = tpu.memref_slice %arg8[%dma_start3A_48, %dma_start3A_49] : memref<10240x128xf32, #tpu.memory_space<vmem_shared>> -> memref<10240x128xf32, #tpu.memory_space<vmem_shared>>
        tpu.enqueue_indirect_dma source(%arg7 : memref<128x128xf32, #tpu.memory_space<vmem>>) target(%dma_start3A_50 : memref<10240x128xf32, #tpu.memory_space<vmem_shared>>) offsets(%dma_start3A_47 : memref<128xi32, #tpu.memory_space<vmem>>) semaphore(%run_scoped3A : memref<!tpu.dma_semaphore, #tpu.memory_space<semaphore_mem>>) {add = true}
        %dma_wait3A_51 = tpu.memref_slice %arg6[%add3A_46] : memref<24064xi32, #tpu.memory_space<vmem>> -> memref<128xi32, #tpu.memory_space<vmem>>
        %dma_wait3A_52 = arith.constant 0 : i32
        %dma_wait3A_53 = arith.constant 0 : i32
        %dma_wait3A_54 = tpu.memref_slice %arg8[%dma_wait3A_52, %dma_wait3A_53] : memref<10240x128xf32, #tpu.memory_space<vmem_shared>> -> memref<10240x128xf32, #tpu.memory_space<vmem_shared>>
        tpu.wait_indirect_dma semaphore(%run_scoped3A : memref<!tpu.dma_semaphore, #tpu.memory_space<semaphore_mem>>) src(%arg7 : memref<128x128xf32, #tpu.memory_space<vmem>>) dst(%dma_wait3A_54 : memref<10240x128xf32, #tpu.memory_space<vmem_shared>>)
        tpu.yield
      }) : () -> ()
    }
    %while3A_30 = arith.constant 1 : i32
    scf.for %while3A_32 = %while3A_28 to %while3A_24 step %while3A_30  : i32 {
      %mul3A_33 = arith.muli %while3A_32, %while3A : i32
      %add3A_34 = arith.addi %while3A_21, %mul3A_33 : i32
      %mul3A_35 = arith.constant 256 : i32
      %mul3A_36 = arith.muli %add3A_34, %mul3A_35 : i32
      %dma_start3A = tpu.memref_slice %arg6[%mul3A_36] : memref<24064xi32, #tpu.memory_space<vmem>> -> memref<128xi32, #tpu.memory_space<vmem>>
      %dma_start3A_37 = arith.constant 0 : i32
      %dma_start3A_38 = arith.constant 0 : i32
      %dma_start3A_39 = tpu.memref_slice %arg2[%dma_start3A_37, %dma_start3A_38] : memref<10240x128xf32, #tpu.memory_space<hbm>> -> memref<10240x128xf32, #tpu.memory_space<hbm>>
      tpu.enqueue_indirect_dma source(%dma_start3A_39 : memref<10240x128xf32, #tpu.memory_space<hbm>>) target(%arg7 : memref<128x128xf32, #tpu.memory_space<vmem>>) offsets(%dma_start3A : memref<128xi32, #tpu.memory_space<vmem>>) semaphore(%arg9 : memref<!tpu.dma_semaphore, #tpu.memory_space<semaphore_mem>>)
      %dma_wait3A = tpu.memref_slice %arg6[%mul3A_36] : memref<24064xi32, #tpu.memory_space<vmem>> -> memref<128xi32, #tpu.memory_space<vmem>>
      %dma_wait3A_40 = arith.constant 0 : i32
      %dma_wait3A_41 = arith.constant 0 : i32
      %dma_wait3A_42 = tpu.memref_slice %arg2[%dma_wait3A_40, %dma_wait3A_41] : memref<10240x128xf32, #tpu.memory_space<hbm>> -> memref<10240x128xf32, #tpu.memory_space<hbm>>
      tpu.wait_indirect_dma semaphore(%arg9 : memref<!tpu.dma_semaphore, #tpu.memory_space<semaphore_mem>>) src(%dma_wait3A_42 : memref<10240x128xf32, #tpu.memory_space<hbm>>) dst(%arg7 : memref<128x128xf32, #tpu.memory_space<vmem>>)
      %mul3A_43 = arith.constant 256 : i32
      %mul3A_44 = arith.muli %add3A_34, %mul3A_43 : i32
      %add3A_45 = arith.constant 128 : i32
      %add3A_46 = arith.addi %mul3A_44, %add3A_45 : i32
      "tpu.region"() ({
        %run_scoped3A = tpu.sem_alloc : memref<!tpu.dma_semaphore, #tpu.memory_space<semaphore_mem>>
        %dma_start3A_47 = tpu.memref_slice %arg6[%add3A_46] : memref<24064xi32, #tpu.memory_space<vmem>> -> memref<128xi32, #tpu.memory_space<vmem>>
        %dma_start3A_48 = arith.constant 0 : i32
        %dma_start3A_49 = arith.constant 0 : i32
        %dma_start3A_50 = tpu.memref_slice %arg8[%dma_start3A_48, %dma_start3A_49] : memref<10240x128xf32, #tpu.memory_space<vmem_shared>> -> memref<10240x128xf32, #tpu.memory_space<vmem_shared>>
        tpu.enqueue_indirect_dma source(%arg7 : memref<128x128xf32, #tpu.memory_space<vmem>>) target(%dma_start3A_50 : memref<10240x128xf32, #tpu.memory_space<vmem_shared>>) offsets(%dma_start3A_47 : memref<128xi32, #tpu.memory_space<vmem>>) semaphore(%run_scoped3A : memref<!tpu.dma_semaphore, #tpu.memory_space<semaphore_mem>>) {add = true}
        %dma_wait3A_51 = tpu.memref_slice %arg6[%add3A_46] : memref<24064xi32, #tpu.memory_space<vmem>> -> memref<128xi32, #tpu.memory_space<vmem>>
        %dma_wait3A_52 = arith.constant 0 : i32
        %dma_wait3A_53 = arith.constant 0 : i32
        %dma_wait3A_54 = tpu.memref_slice %arg8[%dma_wait3A_52, %dma_wait3A_53] : memref<10240x128xf32, #tpu.memory_space<vmem_shared>> -> memref<10240x128xf32, #tpu.memory_space<vmem_shared>>
        tpu.wait_indirect_dma semaphore(%run_scoped3A : memref<!tpu.dma_semaphore, #tpu.memory_space<semaphore_mem>>) src(%arg7 : memref<128x128xf32, #tpu.memory_space<vmem>>) dst(%dma_wait3A_54 : memref<10240x128xf32, #tpu.memory_space<vmem_shared>>)
        tpu.yield
      }) : () -> ()
    }
    %barrier3A_31 = arith.constant 0 : index
    tpu.barrier barrier_id(%barrier3A_31)
    "tpu.region"() ({
      %run_scoped3A = tpu.sem_alloc : memref<!tpu.dma_semaphore, #tpu.memory_space<semaphore_mem>>
      %dma_start3A = arith.constant 0 : i32
      %dma_start3A_32 = tpu.memref_slice %arg5[%arg0, %mul3A_0, %dma_start3A] : memref<2x10240x128xf32, #tpu.memory_space<hbm>> -> memref<1x640x128xf32, #tpu.memory_space<hbm>>
      %dma_start3A_33 = tpu.memref_squeeze %dma_start3A_32 : memref<1x640x128xf32, #tpu.memory_space<hbm>> -> memref<640x128xf32, #tpu.memory_space<hbm>>
      %dma_start3A_34 = arith.constant 0 : i32
      %dma_start3A_35 = tpu.memref_slice %arg8[%mul3A_0, %dma_start3A_34] : memref<10240x128xf32, #tpu.memory_space<vmem_shared>> -> memref<640x128xf32, #tpu.memory_space<vmem_shared>>
      tpu.enqueue_dma source(%dma_start3A_35 : memref<640x128xf32, #tpu.memory_space<vmem_shared>>) target(%dma_start3A_33 : memref<640x128xf32, #tpu.memory_space<hbm>>) target_semaphore(%run_scoped3A : memref<!tpu.dma_semaphore, #tpu.memory_space<semaphore_mem>>)
      %dma_wait3A = arith.constant 0 : i32
      %dma_wait3A_36 = tpu.memref_slice %arg5[%arg0, %mul3A_0, %dma_wait3A] : memref<2x10240x128xf32, #tpu.memory_space<hbm>> -> memref<1x640x128xf32, #tpu.memory_space<hbm>>
      %dma_wait3A_37 = tpu.memref_squeeze %dma_wait3A_36 : memref<1x640x128xf32, #tpu.memory_space<hbm>> -> memref<640x128xf32, #tpu.memory_space<hbm>>
      %dma_wait3A_38 = arith.constant 0 : i32
      %dma_wait3A_39 = tpu.memref_slice %arg8[%mul3A_0, %dma_wait3A_38] : memref<10240x128xf32, #tpu.memory_space<vmem_shared>> -> memref<640x128xf32, #tpu.memory_space<vmem_shared>>
      tpu.wait_dma2 semaphore(%run_scoped3A : memref<!tpu.dma_semaphore, #tpu.memory_space<semaphore_mem>>) src(%dma_wait3A_39 : memref<640x128xf32, #tpu.memory_space<vmem_shared>>) dst(%dma_wait3A_37 : memref<640x128xf32, #tpu.memory_space<hbm>>)
      tpu.yield
    }) : () -> ()
    return
  }
}

#map = affine_map<(d0, d1) -> (0, 0, 0)>
#map1 = affine_map<(d0, d1) -> (0, 0)>
module attributes {stable_mosaic.version = 14 : i64} {
  func.func @k(%arg0: i32, %arg1: i32, %arg2: memref<32x80x128xi32, #tpu.memory_space<hbm>>, %arg3: memref<128x128xf32, #tpu.memory_space<hbm>>, %arg4: memref<640x128xf32, #tpu.memory_space<hbm>>, %arg5: memref<2x10240x128xf32, #tpu.memory_space<hbm>>, %arg6: memref<80x128xi32, #tpu.memory_space<vmem>>, %arg7: memref<128x128xf32, #tpu.memory_space<vmem>>, %arg8: memref<10240x128xf32, #tpu.memory_space<vmem_shared>>) attributes {dimension_semantics = [#tpu.dimension_semantics<core_parallel>, #tpu.dimension_semantics<subcore_parallel>], iteration_bounds = array<i64: 2, 16>, scalar_prefetch = 0 : i64, scratch_operands = 3 : i64, tpu.core_type = #tpu.core_type<sc_vector_subcore>, window_params = [{transform_indices = #map}, {transform_indices = #map1}, {transform_indices = #map1}, {transform_indices = #map}]} {
    %mul3A = arith.constant 2 : i32
    %mul3A_0 = arith.muli %arg1, %mul3A : i32
    %add3A = arith.addi %mul3A_0, %arg0 : i32
    %mul3A_1 = arith.constant 640 : i32
    %mul3A_2 = arith.muli %arg1, %mul3A_1 : i32
    "tpu.region"() ({
      %run_scoped3A = tpu.sem_alloc : memref<!tpu.dma_semaphore, #tpu.memory_space<semaphore_mem>>
      %dma_start3A = arith.constant 0 : i32
      %dma_start3A_8 = tpu.memref_slice %arg8[%mul3A_2, %dma_start3A] : memref<10240x128xf32, #tpu.memory_space<vmem_shared>> -> memref<640x128xf32, #tpu.memory_space<vmem_shared>>
      tpu.enqueue_dma source(%arg4 : memref<640x128xf32, #tpu.memory_space<hbm>>) target(%dma_start3A_8 : memref<640x128xf32, #tpu.memory_space<vmem_shared>>) target_semaphore(%run_scoped3A : memref<!tpu.dma_semaphore, #tpu.memory_space<semaphore_mem>>)
      %dma_wait3A = arith.constant 0 : i32
      %dma_wait3A_9 = tpu.memref_slice %arg8[%mul3A_2, %dma_wait3A] : memref<10240x128xf32, #tpu.memory_space<vmem_shared>> -> memref<640x128xf32, #tpu.memory_space<vmem_shared>>
      tpu.wait_dma2 semaphore(%run_scoped3A : memref<!tpu.dma_semaphore, #tpu.memory_space<semaphore_mem>>) src(%arg4 : memref<640x128xf32, #tpu.memory_space<hbm>>) dst(%dma_wait3A_9 : memref<640x128xf32, #tpu.memory_space<vmem_shared>>)
      tpu.yield
    }) : () -> ()
    "tpu.region"() ({
      %run_scoped3A = tpu.sem_alloc : memref<!tpu.dma_semaphore, #tpu.memory_space<semaphore_mem>>
      tpu.enqueue_dma source(%arg3 : memref<128x128xf32, #tpu.memory_space<hbm>>) target(%arg7 : memref<128x128xf32, #tpu.memory_space<vmem>>) target_semaphore(%run_scoped3A : memref<!tpu.dma_semaphore, #tpu.memory_space<semaphore_mem>>)
      tpu.wait_dma2 semaphore(%run_scoped3A : memref<!tpu.dma_semaphore, #tpu.memory_space<semaphore_mem>>) src(%arg3 : memref<128x128xf32, #tpu.memory_space<hbm>>) dst(%arg7 : memref<128x128xf32, #tpu.memory_space<vmem>>)
      tpu.yield
    }) : () -> ()
    "tpu.region"() ({
      %run_scoped3A = tpu.sem_alloc : memref<!tpu.dma_semaphore, #tpu.memory_space<semaphore_mem>>
      %dma_start3A = arith.constant 0 : i32
      %dma_start3A_8 = arith.constant 0 : i32
      %dma_start3A_9 = tpu.memref_slice %arg2[%add3A, %dma_start3A, %dma_start3A_8] : memref<32x80x128xi32, #tpu.memory_space<hbm>> -> memref<1x80x128xi32, #tpu.memory_space<hbm>>
      %dma_start3A_10 = tpu.memref_squeeze %dma_start3A_9 : memref<1x80x128xi32, #tpu.memory_space<hbm>> -> memref<80x128xi32, #tpu.memory_space<hbm>>
      %dma_start3A_11 = arith.constant 0 : i32
      %dma_start3A_12 = arith.constant 0 : i32
      %dma_start3A_13 = tpu.memref_slice %arg2[%add3A, %dma_start3A_11, %dma_start3A_12] : memref<32x80x128xi32, #tpu.memory_space<hbm>> -> memref<1x80x128xi32, #tpu.memory_space<hbm>>
      %dma_start3A_14 = tpu.memref_squeeze %dma_start3A_13 : memref<1x80x128xi32, #tpu.memory_space<hbm>> -> memref<80x128xi32, #tpu.memory_space<hbm>>
      tpu.enqueue_dma source(%dma_start3A_14 : memref<80x128xi32, #tpu.memory_space<hbm>>) target(%arg6 : memref<80x128xi32, #tpu.memory_space<vmem>>) target_semaphore(%run_scoped3A : memref<!tpu.dma_semaphore, #tpu.memory_space<semaphore_mem>>)
      %dma_wait3A = arith.constant 0 : i32
      %dma_wait3A_15 = arith.constant 0 : i32
      %dma_wait3A_16 = tpu.memref_slice %arg2[%add3A, %dma_wait3A, %dma_wait3A_15] : memref<32x80x128xi32, #tpu.memory_space<hbm>> -> memref<1x80x128xi32, #tpu.memory_space<hbm>>
      %dma_wait3A_17 = tpu.memref_squeeze %dma_wait3A_16 : memref<1x80x128xi32, #tpu.memory_space<hbm>> -> memref<80x128xi32, #tpu.memory_space<hbm>>
      %dma_wait3A_18 = arith.constant 0 : i32
      %dma_wait3A_19 = arith.constant 0 : i32
      %dma_wait3A_20 = tpu.memref_slice %arg2[%add3A, %dma_wait3A_18, %dma_wait3A_19] : memref<32x80x128xi32, #tpu.memory_space<hbm>> -> memref<1x80x128xi32, #tpu.memory_space<hbm>>
      %dma_wait3A_21 = tpu.memref_squeeze %dma_wait3A_20 : memref<1x80x128xi32, #tpu.memory_space<hbm>> -> memref<80x128xi32, #tpu.memory_space<hbm>>
      tpu.wait_dma2 semaphore(%run_scoped3A : memref<!tpu.dma_semaphore, #tpu.memory_space<semaphore_mem>>) src(%dma_wait3A_21 : memref<80x128xi32, #tpu.memory_space<hbm>>) dst(%arg6 : memref<80x128xi32, #tpu.memory_space<vmem>>)
      tpu.yield
    }) : () -> ()
    %barrier3A = arith.constant 0 : index
    tpu.barrier barrier_id(%barrier3A)
    %scan3A = arith.constant 0 : i32
    %scan3A_3 = arith.constant 80 : i32
    %scan3A_4 = arith.addi %scan3A, %scan3A_3 : i32
    %scan3A_5 = arith.constant 1 : i32
    scf.for %scan3A_8 = %scan3A to %scan3A_4 step %scan3A_5  : i32 {
      %mul3A_9 = arith.constant 1 : i32
      %mul3A_10 = arith.muli %scan3A_8, %mul3A_9 : i32
      %add3A_11 = arith.constant 0 : i32
      %add3A_12 = arith.addi %add3A_11, %mul3A_10 : i32
      "tpu.region"() ({
        %run_scoped3A = tpu.sem_alloc : memref<!tpu.dma_semaphore, #tpu.memory_space<semaphore_mem>>
        %dma_start3A = arith.constant 0 : i32
        %dma_start3A_13 = tpu.memref_slice %arg6[%add3A_12, %dma_start3A] : memref<80x128xi32, #tpu.memory_space<vmem>> -> memref<1x128xi32, #tpu.memory_space<vmem>>
        %dma_start3A_14 = tpu.memref_squeeze %dma_start3A_13 : memref<1x128xi32, #tpu.memory_space<vmem>> -> memref<128xi32, #tpu.memory_space<vmem>>
        %dma_start3A_15 = arith.constant 0 : i32
        %dma_start3A_16 = arith.constant 0 : i32
        %dma_start3A_17 = tpu.memref_slice %arg8[%dma_start3A_15, %dma_start3A_16] : memref<10240x128xf32, #tpu.memory_space<vmem_shared>> -> memref<10240x128xf32, #tpu.memory_space<vmem_shared>>
        tpu.enqueue_indirect_dma source(%arg7 : memref<128x128xf32, #tpu.memory_space<vmem>>) target(%dma_start3A_17 : memref<10240x128xf32, #tpu.memory_space<vmem_shared>>) offsets(%dma_start3A_14 : memref<128xi32, #tpu.memory_space<vmem>>) semaphore(%run_scoped3A : memref<!tpu.dma_semaphore, #tpu.memory_space<semaphore_mem>>) {add = true}
        %dma_wait3A = arith.constant 0 : i32
        %dma_wait3A_18 = tpu.memref_slice %arg6[%add3A_12, %dma_wait3A] : memref<80x128xi32, #tpu.memory_space<vmem>> -> memref<1x128xi32, #tpu.memory_space<vmem>>
        %dma_wait3A_19 = tpu.memref_squeeze %dma_wait3A_18 : memref<1x128xi32, #tpu.memory_space<vmem>> -> memref<128xi32, #tpu.memory_space<vmem>>
        %dma_wait3A_20 = arith.constant 0 : i32
        %dma_wait3A_21 = arith.constant 0 : i32
        %dma_wait3A_22 = tpu.memref_slice %arg8[%dma_wait3A_20, %dma_wait3A_21] : memref<10240x128xf32, #tpu.memory_space<vmem_shared>> -> memref<10240x128xf32, #tpu.memory_space<vmem_shared>>
        tpu.wait_indirect_dma semaphore(%run_scoped3A : memref<!tpu.dma_semaphore, #tpu.memory_space<semaphore_mem>>) src(%arg7 : memref<128x128xf32, #tpu.memory_space<vmem>>) dst(%dma_wait3A_22 : memref<10240x128xf32, #tpu.memory_space<vmem_shared>>)
        tpu.yield
      }) : () -> ()
    }
    %scan3A_6 = arith.constant 80 : i32
    %barrier3A_7 = arith.constant 0 : index
    tpu.barrier barrier_id(%barrier3A_7)
    "tpu.region"() ({
      %run_scoped3A = tpu.sem_alloc : memref<!tpu.dma_semaphore, #tpu.memory_space<semaphore_mem>>
      %dma_start3A = arith.constant 0 : i32
      %dma_start3A_8 = tpu.memref_slice %arg5[%arg0, %mul3A_2, %dma_start3A] : memref<2x10240x128xf32, #tpu.memory_space<hbm>> -> memref<1x640x128xf32, #tpu.memory_space<hbm>>
      %dma_start3A_9 = tpu.memref_squeeze %dma_start3A_8 : memref<1x640x128xf32, #tpu.memory_space<hbm>> -> memref<640x128xf32, #tpu.memory_space<hbm>>
      %dma_start3A_10 = arith.constant 0 : i32
      %dma_start3A_11 = tpu.memref_slice %arg8[%mul3A_2, %dma_start3A_10] : memref<10240x128xf32, #tpu.memory_space<vmem_shared>> -> memref<640x128xf32, #tpu.memory_space<vmem_shared>>
      tpu.enqueue_dma source(%dma_start3A_11 : memref<640x128xf32, #tpu.memory_space<vmem_shared>>) target(%dma_start3A_9 : memref<640x128xf32, #tpu.memory_space<hbm>>) target_semaphore(%run_scoped3A : memref<!tpu.dma_semaphore, #tpu.memory_space<semaphore_mem>>)
      %dma_wait3A = arith.constant 0 : i32
      %dma_wait3A_12 = tpu.memref_slice %arg5[%arg0, %mul3A_2, %dma_wait3A] : memref<2x10240x128xf32, #tpu.memory_space<hbm>> -> memref<1x640x128xf32, #tpu.memory_space<hbm>>
      %dma_wait3A_13 = tpu.memref_squeeze %dma_wait3A_12 : memref<1x640x128xf32, #tpu.memory_space<hbm>> -> memref<640x128xf32, #tpu.memory_space<hbm>>
      %dma_wait3A_14 = arith.constant 0 : i32
      %dma_wait3A_15 = tpu.memref_slice %arg8[%mul3A_2, %dma_wait3A_14] : memref<10240x128xf32, #tpu.memory_space<vmem_shared>> -> memref<640x128xf32, #tpu.memory_space<vmem_shared>>
      tpu.wait_dma2 semaphore(%run_scoped3A : memref<!tpu.dma_semaphore, #tpu.memory_space<semaphore_mem>>) src(%dma_wait3A_15 : memref<640x128xf32, #tpu.memory_space<vmem_shared>>) dst(%dma_wait3A_13 : memref<640x128xf32, #tpu.memory_space<hbm>>)
      tpu.yield
    }) : () -> ()
    return
  }
}

#map = affine_map<(d0, d1) -> (0, 0)>
#map1 = affine_map<(d0, d1) -> (0)>
#map2 = affine_map<(d0, d1) -> (0, 0, 0)>
module attributes {stable_mosaic.version = 14 : i64} {
  func.func @k(%arg0: i32, %arg1: i32, %arg2: memref<10240x128xf32, #tpu.memory_space<hbm>>, %arg3: memref<651008xi32, #tpu.memory_space<hbm>>, %arg4: memref<640x128xf32, #tpu.memory_space<hbm>>, %arg5: memref<2x10240x128xf32, #tpu.memory_space<hbm>>, %arg6: memref<24064xi32, #tpu.memory_space<vmem>>, %arg7: memref<128x128xf32, #tpu.memory_space<vmem>>, %arg8: memref<10240x128xf32, #tpu.memory_space<vmem_shared>>, %arg9: memref<!tpu.dma_semaphore, #tpu.memory_space<semaphore_mem>>) attributes {dimension_semantics = [#tpu.dimension_semantics<core_parallel>, #tpu.dimension_semantics<subcore_parallel>], iteration_bounds = array<i64: 2, 16>, scalar_prefetch = 0 : i64, scratch_operands = 4 : i64, tpu.core_type = #tpu.core_type<sc_vector_subcore>, window_params = [{transform_indices = #map}, {transform_indices = #map1}, {transform_indices = #map}, {transform_indices = #map2}]} {
    %mul3A = arith.constant 640 : i32
    %mul3A_0 = arith.muli %arg1, %mul3A : i32
    %eq3A = arith.constant 0 : i32
    %eq3A_1 = arith.cmpi eq, %arg0, %eq3A : i32
    %mul3A_2 = arith.constant 94 : i32
    %mul3A_3 = arith.muli %arg1, %mul3A_2 : i32
    %mul3A_4 = arith.constant 256 : i32
    %mul3A_5 = arith.muli %mul3A_3, %mul3A_4 : i32
    %mul3A_6 = arith.constant 63 : i32
    %mul3A_7 = arith.muli %arg1, %mul3A_6 : i32
    %add3A = arith.constant 1504 : i32
    %add3A_8 = arith.addi %add3A, %mul3A_7 : i32
    %mul3A_9 = arith.constant 256 : i32
    %mul3A_10 = arith.muli %add3A_8, %mul3A_9 : i32
    %select_n3A = arith.select %eq3A_1, %mul3A_5, %mul3A_10 : i32
    %eq3A_11 = arith.constant 0 : i32
    %eq3A_12 = arith.cmpi eq, %arg0, %eq3A_11 : i32
    %jit3A = arith.constant 94 : i32
    %jit3A_13 = arith.constant 63 : i32
    %select_n3A_14 = arith.select %eq3A_12, %jit3A, %jit3A_13 : i32
    "tpu.region"() ({
      %run_scoped3A = tpu.sem_alloc : memref<!tpu.dma_semaphore, #tpu.memory_space<semaphore_mem>>
      %dma_start3A = arith.constant 0 : i32
      %dma_start3A_32 = tpu.memref_slice %arg8[%mul3A_0, %dma_start3A] : memref<10240x128xf32, #tpu.memory_space<vmem_shared>> -> memref<640x128xf32, #tpu.memory_space<vmem_shared>>
      tpu.enqueue_dma source(%arg4 : memref<640x128xf32, #tpu.memory_space<hbm>>) target(%dma_start3A_32 : memref<640x128xf32, #tpu.memory_space<vmem_shared>>) target_semaphore(%run_scoped3A : memref<!tpu.dma_semaphore, #tpu.memory_space<semaphore_mem>>)
      %dma_wait3A = arith.constant 0 : i32
      %dma_wait3A_33 = tpu.memref_slice %arg8[%mul3A_0, %dma_wait3A] : memref<10240x128xf32, #tpu.memory_space<vmem_shared>> -> memref<640x128xf32, #tpu.memory_space<vmem_shared>>
      tpu.wait_dma2 semaphore(%run_scoped3A : memref<!tpu.dma_semaphore, #tpu.memory_space<semaphore_mem>>) src(%arg4 : memref<640x128xf32, #tpu.memory_space<hbm>>) dst(%dma_wait3A_33 : memref<640x128xf32, #tpu.memory_space<vmem_shared>>)
      tpu.yield
    }) : () -> ()
    "tpu.region"() ({
      %run_scoped3A = tpu.sem_alloc : memref<!tpu.dma_semaphore, #tpu.memory_space<semaphore_mem>>
      %dma_start3A = tpu.memref_slice %arg3[%select_n3A] : memref<651008xi32, #tpu.memory_space<hbm>> -> memref<24064xi32, #tpu.memory_space<hbm>>
      %dma_start3A_32 = tpu.memref_slice %arg3[%select_n3A] : memref<651008xi32, #tpu.memory_space<hbm>> -> memref<24064xi32, #tpu.memory_space<hbm>>
      tpu.enqueue_dma source(%dma_start3A_32 : memref<24064xi32, #tpu.memory_space<hbm>>) target(%arg6 : memref<24064xi32, #tpu.memory_space<vmem>>) target_semaphore(%run_scoped3A : memref<!tpu.dma_semaphore, #tpu.memory_space<semaphore_mem>>)
      %dma_wait3A = tpu.memref_slice %arg3[%select_n3A] : memref<651008xi32, #tpu.memory_space<hbm>> -> memref<24064xi32, #tpu.memory_space<hbm>>
      %dma_wait3A_33 = tpu.memref_slice %arg3[%select_n3A] : memref<651008xi32, #tpu.memory_space<hbm>> -> memref<24064xi32, #tpu.memory_space<hbm>>
      tpu.wait_dma2 semaphore(%run_scoped3A : memref<!tpu.dma_semaphore, #tpu.memory_space<semaphore_mem>>) src(%dma_wait3A_33 : memref<24064xi32, #tpu.memory_space<hbm>>) dst(%arg6 : memref<24064xi32, #tpu.memory_space<vmem>>)
      tpu.yield
    }) : () -> ()
    %barrier3A = arith.constant 0 : index
    tpu.barrier barrier_id(%barrier3A)
    %sub3A = arith.constant 0 : i32
    %sub3A_15 = arith.subi %select_n3A_14, %sub3A : i32
    %sub3A_16 = arith.constant 1 : i32
    %sub3A_17 = arith.constant 1 : i32
    %sub3A_18 = arith.subi %sub3A_16, %sub3A_17 : i32
    %add3A_19 = arith.addi %sub3A_15, %sub3A_18 : i32
    %div3A = arith.constant 1 : i32
    %div3A_20 = arith.divsi %add3A_19, %div3A : i32
    %while3A = arith.constant 1 : i32
    %while3A_21 = arith.constant 0 : i32
    %while3A_22 = arith.constant 0 : i32
    %while3A_23 = arith.subi %div3A_20, %while3A_22 : i32
    %while3A_24 = arith.addi %while3A_22, %while3A_23 : i32
    %while3A_25 = arith.constant 1 : i32
    %while3A_26 = arith.divsi %while3A_23, %while3A_25 : i32
    %while3A_27 = arith.muli %while3A_26, %while3A_25 : i32
    %while3A_28 = arith.addi %while3A_22, %while3A_27 : i32
    %while3A_29 = arith.constant 1 : i32
    scf.for %while3A_32 = %while3A_22 to %while3A_28 step %while3A_29  : i32 {
      %mul3A_33 = arith.muli %while3A_32, %while3A : i32
      %add3A_34 = arith.addi %while3A_21, %mul3A_33 : i32
      %mul3A_35 = arith.constant 256 : i32
      %mul3A_36 = arith.muli %add3A_34, %mul3A_35 : i32
      %dma_start3A = tpu.memref_slice %arg6[%mul3A_36] : memref<24064xi32, #tpu.memory_space<vmem>> -> memref<128xi32, #tpu.memory_space<vmem>>
      %dma_start3A_37 = arith.constant 0 : i32
      %dma_start3A_38 = arith.constant 0 : i32
      %dma_start3A_39 = tpu.memref_slice %arg2[%dma_start3A_37, %dma_start3A_38] : memref<10240x128xf32, #tpu.memory_space<hbm>> -> memref<10240x128xf32, #tpu.memory_space<hbm>>
      tpu.enqueue_indirect_dma source(%dma_start3A_39 : memref<10240x128xf32, #tpu.memory_space<hbm>>) target(%arg7 : memref<128x128xf32, #tpu.memory_space<vmem>>) offsets(%dma_start3A : memref<128xi32, #tpu.memory_space<vmem>>) semaphore(%arg9 : memref<!tpu.dma_semaphore, #tpu.memory_space<semaphore_mem>>)
      %dma_wait3A = tpu.memref_slice %arg6[%mul3A_36] : memref<24064xi32, #tpu.memory_space<vmem>> -> memref<128xi32, #tpu.memory_space<vmem>>
      %dma_wait3A_40 = arith.constant 0 : i32
      %dma_wait3A_41 = arith.constant 0 : i32
      %dma_wait3A_42 = tpu.memref_slice %arg2[%dma_wait3A_40, %dma_wait3A_41] : memref<10240x128xf32, #tpu.memory_space<hbm>> -> memref<10240x128xf32, #tpu.memory_space<hbm>>
      tpu.wait_indirect_dma semaphore(%arg9 : memref<!tpu.dma_semaphore, #tpu.memory_space<semaphore_mem>>) src(%dma_wait3A_42 : memref<10240x128xf32, #tpu.memory_space<hbm>>) dst(%arg7 : memref<128x128xf32, #tpu.memory_space<vmem>>)
      %mul3A_43 = arith.constant 256 : i32
      %mul3A_44 = arith.muli %add3A_34, %mul3A_43 : i32
      %add3A_45 = arith.constant 128 : i32
      %add3A_46 = arith.addi %mul3A_44, %add3A_45 : i32
      "tpu.region"() ({
        %run_scoped3A = tpu.sem_alloc : memref<!tpu.dma_semaphore, #tpu.memory_space<semaphore_mem>>
        %dma_start3A_47 = tpu.memref_slice %arg6[%add3A_46] : memref<24064xi32, #tpu.memory_space<vmem>> -> memref<128xi32, #tpu.memory_space<vmem>>
        %dma_start3A_48 = arith.constant 0 : i32
        %dma_start3A_49 = arith.constant 0 : i32
        %dma_start3A_50 = tpu.memref_slice %arg8[%dma_start3A_48, %dma_start3A_49] : memref<10240x128xf32, #tpu.memory_space<vmem_shared>> -> memref<10240x128xf32, #tpu.memory_space<vmem_shared>>
        tpu.enqueue_indirect_dma source(%arg7 : memref<128x128xf32, #tpu.memory_space<vmem>>) target(%dma_start3A_50 : memref<10240x128xf32, #tpu.memory_space<vmem_shared>>) offsets(%dma_start3A_47 : memref<128xi32, #tpu.memory_space<vmem>>) semaphore(%run_scoped3A : memref<!tpu.dma_semaphore, #tpu.memory_space<semaphore_mem>>) {add = true}
        %dma_wait3A_51 = tpu.memref_slice %arg6[%add3A_46] : memref<24064xi32, #tpu.memory_space<vmem>> -> memref<128xi32, #tpu.memory_space<vmem>>
        %dma_wait3A_52 = arith.constant 0 : i32
        %dma_wait3A_53 = arith.constant 0 : i32
        %dma_wait3A_54 = tpu.memref_slice %arg8[%dma_wait3A_52, %dma_wait3A_53] : memref<10240x128xf32, #tpu.memory_space<vmem_shared>> -> memref<10240x128xf32, #tpu.memory_space<vmem_shared>>
        tpu.wait_indirect_dma semaphore(%run_scoped3A : memref<!tpu.dma_semaphore, #tpu.memory_space<semaphore_mem>>) src(%arg7 : memref<128x128xf32, #tpu.memory_space<vmem>>) dst(%dma_wait3A_54 : memref<10240x128xf32, #tpu.memory_space<vmem_shared>>)
        tpu.yield
      }) : () -> ()
    }
    %while3A_30 = arith.constant 1 : i32
    scf.for %while3A_32 = %while3A_28 to %while3A_24 step %while3A_30  : i32 {
      %mul3A_33 = arith.muli %while3A_32, %while3A : i32
      %add3A_34 = arith.addi %while3A_21, %mul3A_33 : i32
      %mul3A_35 = arith.constant 256 : i32
      %mul3A_36 = arith.muli %add3A_34, %mul3A_35 : i32
      %dma_start3A = tpu.memref_slice %arg6[%mul3A_36] : memref<24064xi32, #tpu.memory_space<vmem>> -> memref<128xi32, #tpu.memory_space<vmem>>
      %dma_start3A_37 = arith.constant 0 : i32
      %dma_start3A_38 = arith.constant 0 : i32
      %dma_start3A_39 = tpu.memref_slice %arg2[%dma_start3A_37, %dma_start3A_38] : memref<10240x128xf32, #tpu.memory_space<hbm>> -> memref<10240x128xf32, #tpu.memory_space<hbm>>
      tpu.enqueue_indirect_dma source(%dma_start3A_39 : memref<10240x128xf32, #tpu.memory_space<hbm>>) target(%arg7 : memref<128x128xf32, #tpu.memory_space<vmem>>) offsets(%dma_start3A : memref<128xi32, #tpu.memory_space<vmem>>) semaphore(%arg9 : memref<!tpu.dma_semaphore, #tpu.memory_space<semaphore_mem>>)
      %dma_wait3A = tpu.memref_slice %arg6[%mul3A_36] : memref<24064xi32, #tpu.memory_space<vmem>> -> memref<128xi32, #tpu.memory_space<vmem>>
      %dma_wait3A_40 = arith.constant 0 : i32
      %dma_wait3A_41 = arith.constant 0 : i32
      %dma_wait3A_42 = tpu.memref_slice %arg2[%dma_wait3A_40, %dma_wait3A_41] : memref<10240x128xf32, #tpu.memory_space<hbm>> -> memref<10240x128xf32, #tpu.memory_space<hbm>>
      tpu.wait_indirect_dma semaphore(%arg9 : memref<!tpu.dma_semaphore, #tpu.memory_space<semaphore_mem>>) src(%dma_wait3A_42 : memref<10240x128xf32, #tpu.memory_space<hbm>>) dst(%arg7 : memref<128x128xf32, #tpu.memory_space<vmem>>)
      %mul3A_43 = arith.constant 256 : i32
      %mul3A_44 = arith.muli %add3A_34, %mul3A_43 : i32
      %add3A_45 = arith.constant 128 : i32
      %add3A_46 = arith.addi %mul3A_44, %add3A_45 : i32
      "tpu.region"() ({
        %run_scoped3A = tpu.sem_alloc : memref<!tpu.dma_semaphore, #tpu.memory_space<semaphore_mem>>
        %dma_start3A_47 = tpu.memref_slice %arg6[%add3A_46] : memref<24064xi32, #tpu.memory_space<vmem>> -> memref<128xi32, #tpu.memory_space<vmem>>
        %dma_start3A_48 = arith.constant 0 : i32
        %dma_start3A_49 = arith.constant 0 : i32
        %dma_start3A_50 = tpu.memref_slice %arg8[%dma_start3A_48, %dma_start3A_49] : memref<10240x128xf32, #tpu.memory_space<vmem_shared>> -> memref<10240x128xf32, #tpu.memory_space<vmem_shared>>
        tpu.enqueue_indirect_dma source(%arg7 : memref<128x128xf32, #tpu.memory_space<vmem>>) target(%dma_start3A_50 : memref<10240x128xf32, #tpu.memory_space<vmem_shared>>) offsets(%dma_start3A_47 : memref<128xi32, #tpu.memory_space<vmem>>) semaphore(%run_scoped3A : memref<!tpu.dma_semaphore, #tpu.memory_space<semaphore_mem>>) {add = true}
        %dma_wait3A_51 = tpu.memref_slice %arg6[%add3A_46] : memref<24064xi32, #tpu.memory_space<vmem>> -> memref<128xi32, #tpu.memory_space<vmem>>
        %dma_wait3A_52 = arith.constant 0 : i32
        %dma_wait3A_53 = arith.constant 0 : i32
        %dma_wait3A_54 = tpu.memref_slice %arg8[%dma_wait3A_52, %dma_wait3A_53] : memref<10240x128xf32, #tpu.memory_space<vmem_shared>> -> memref<10240x128xf32, #tpu.memory_space<vmem_shared>>
        tpu.wait_indirect_dma semaphore(%run_scoped3A : memref<!tpu.dma_semaphore, #tpu.memory_space<semaphore_mem>>) src(%arg7 : memref<128x128xf32, #tpu.memory_space<vmem>>) dst(%dma_wait3A_54 : memref<10240x128xf32, #tpu.memory_space<vmem_shared>>)
        tpu.yield
      }) : () -> ()
    }
    %barrier3A_31 = arith.constant 0 : index
    tpu.barrier barrier_id(%barrier3A_31)
    "tpu.region"() ({
      %run_scoped3A = tpu.sem_alloc : memref<!tpu.dma_semaphore, #tpu.memory_space<semaphore_mem>>
      %dma_start3A = arith.constant 0 : i32
      %dma_start3A_32 = tpu.memref_slice %arg5[%arg0, %mul3A_0, %dma_start3A] : memref<2x10240x128xf32, #tpu.memory_space<hbm>> -> memref<1x640x128xf32, #tpu.memory_space<hbm>>
      %dma_start3A_33 = tpu.memref_squeeze %dma_start3A_32 : memref<1x640x128xf32, #tpu.memory_space<hbm>> -> memref<640x128xf32, #tpu.memory_space<hbm>>
      %dma_start3A_34 = arith.constant 0 : i32
      %dma_start3A_35 = tpu.memref_slice %arg8[%mul3A_0, %dma_start3A_34] : memref<10240x128xf32, #tpu.memory_space<vmem_shared>> -> memref<640x128xf32, #tpu.memory_space<vmem_shared>>
      tpu.enqueue_dma source(%dma_start3A_35 : memref<640x128xf32, #tpu.memory_space<vmem_shared>>) target(%dma_start3A_33 : memref<640x128xf32, #tpu.memory_space<hbm>>) target_semaphore(%run_scoped3A : memref<!tpu.dma_semaphore, #tpu.memory_space<semaphore_mem>>)
      %dma_wait3A = arith.constant 0 : i32
      %dma_wait3A_36 = tpu.memref_slice %arg5[%arg0, %mul3A_0, %dma_wait3A] : memref<2x10240x128xf32, #tpu.memory_space<hbm>> -> memref<1x640x128xf32, #tpu.memory_space<hbm>>
      %dma_wait3A_37 = tpu.memref_squeeze %dma_wait3A_36 : memref<1x640x128xf32, #tpu.memory_space<hbm>> -> memref<640x128xf32, #tpu.memory_space<hbm>>
      %dma_wait3A_38 = arith.constant 0 : i32
      %dma_wait3A_39 = tpu.memref_slice %arg8[%mul3A_0, %dma_wait3A_38] : memref<10240x128xf32, #tpu.memory_space<vmem_shared>> -> memref<640x128xf32, #tpu.memory_space<vmem_shared>>
      tpu.wait_dma2 semaphore(%run_scoped3A : memref<!tpu.dma_semaphore, #tpu.memory_space<semaphore_mem>>) src(%dma_wait3A_39 : memref<640x128xf32, #tpu.memory_space<vmem_shared>>) dst(%dma_wait3A_37 : memref<640x128xf32, #tpu.memory_space<hbm>>)
      tpu.yield
    }) : () -> ()
    return
  }
}

#map = affine_map<(d0, d1) -> (0, 0)>
#map1 = affine_map<(d0, d1) -> (0)>
#map2 = affine_map<(d0, d1) -> (0, 0, 0)>
module attributes {stable_mosaic.version = 14 : i64} {
  func.func @k(%arg0: i32, %arg1: i32, %arg2: memref<10240x128xf32, #tpu.memory_space<hbm>>, %arg3: memref<651008xi32, #tpu.memory_space<hbm>>, %arg4: memref<640x128xf32, #tpu.memory_space<hbm>>, %arg5: memref<2x10240x128xf32, #tpu.memory_space<hbm>>, %arg6: memref<24064xi32, #tpu.memory_space<vmem>>, %arg7: memref<128x128xf32, #tpu.memory_space<vmem>>, %arg8: memref<10240x128xf32, #tpu.memory_space<vmem_shared>>, %arg9: memref<!tpu.dma_semaphore, #tpu.memory_space<semaphore_mem>>) attributes {dimension_semantics = [#tpu.dimension_semantics<core_parallel>, #tpu.dimension_semantics<subcore_parallel>], iteration_bounds = array<i64: 2, 16>, scalar_prefetch = 0 : i64, scratch_operands = 4 : i64, tpu.core_type = #tpu.core_type<sc_vector_subcore>, window_params = [{transform_indices = #map}, {transform_indices = #map1}, {transform_indices = #map}, {transform_indices = #map2}]} {
    %mul3A = arith.constant 640 : i32
    %mul3A_0 = arith.muli %arg1, %mul3A : i32
    %eq3A = arith.constant 0 : i32
    %eq3A_1 = arith.cmpi eq, %arg0, %eq3A : i32
    %mul3A_2 = arith.constant 94 : i32
    %mul3A_3 = arith.muli %arg1, %mul3A_2 : i32
    %mul3A_4 = arith.constant 256 : i32
    %mul3A_5 = arith.muli %mul3A_3, %mul3A_4 : i32
    %mul3A_6 = arith.constant 63 : i32
    %mul3A_7 = arith.muli %arg1, %mul3A_6 : i32
    %add3A = arith.constant 1504 : i32
    %add3A_8 = arith.addi %add3A, %mul3A_7 : i32
    %mul3A_9 = arith.constant 256 : i32
    %mul3A_10 = arith.muli %add3A_8, %mul3A_9 : i32
    %select_n3A = arith.select %eq3A_1, %mul3A_5, %mul3A_10 : i32
    %eq3A_11 = arith.constant 0 : i32
    %eq3A_12 = arith.cmpi eq, %arg0, %eq3A_11 : i32
    %jit3A = arith.constant 94 : i32
    %jit3A_13 = arith.constant 63 : i32
    %select_n3A_14 = arith.select %eq3A_12, %jit3A, %jit3A_13 : i32
    "tpu.region"() ({
      %run_scoped3A = tpu.sem_alloc : memref<!tpu.dma_semaphore, #tpu.memory_space<semaphore_mem>>
      %dma_start3A = arith.constant 0 : i32
      %dma_start3A_32 = tpu.memref_slice %arg8[%mul3A_0, %dma_start3A] : memref<10240x128xf32, #tpu.memory_space<vmem_shared>> -> memref<640x128xf32, #tpu.memory_space<vmem_shared>>
      tpu.enqueue_dma source(%arg4 : memref<640x128xf32, #tpu.memory_space<hbm>>) target(%dma_start3A_32 : memref<640x128xf32, #tpu.memory_space<vmem_shared>>) target_semaphore(%run_scoped3A : memref<!tpu.dma_semaphore, #tpu.memory_space<semaphore_mem>>)
      %dma_wait3A = arith.constant 0 : i32
      %dma_wait3A_33 = tpu.memref_slice %arg8[%mul3A_0, %dma_wait3A] : memref<10240x128xf32, #tpu.memory_space<vmem_shared>> -> memref<640x128xf32, #tpu.memory_space<vmem_shared>>
      tpu.wait_dma2 semaphore(%run_scoped3A : memref<!tpu.dma_semaphore, #tpu.memory_space<semaphore_mem>>) src(%arg4 : memref<640x128xf32, #tpu.memory_space<hbm>>) dst(%dma_wait3A_33 : memref<640x128xf32, #tpu.memory_space<vmem_shared>>)
      tpu.yield
    }) : () -> ()
    "tpu.region"() ({
      %run_scoped3A = tpu.sem_alloc : memref<!tpu.dma_semaphore, #tpu.memory_space<semaphore_mem>>
      %dma_start3A = tpu.memref_slice %arg3[%select_n3A] : memref<651008xi32, #tpu.memory_space<hbm>> -> memref<24064xi32, #tpu.memory_space<hbm>>
      %dma_start3A_32 = tpu.memref_slice %arg3[%select_n3A] : memref<651008xi32, #tpu.memory_space<hbm>> -> memref<24064xi32, #tpu.memory_space<hbm>>
      tpu.enqueue_dma source(%dma_start3A_32 : memref<24064xi32, #tpu.memory_space<hbm>>) target(%arg6 : memref<24064xi32, #tpu.memory_space<vmem>>) target_semaphore(%run_scoped3A : memref<!tpu.dma_semaphore, #tpu.memory_space<semaphore_mem>>)
      %dma_wait3A = tpu.memref_slice %arg3[%select_n3A] : memref<651008xi32, #tpu.memory_space<hbm>> -> memref<24064xi32, #tpu.memory_space<hbm>>
      %dma_wait3A_33 = tpu.memref_slice %arg3[%select_n3A] : memref<651008xi32, #tpu.memory_space<hbm>> -> memref<24064xi32, #tpu.memory_space<hbm>>
      tpu.wait_dma2 semaphore(%run_scoped3A : memref<!tpu.dma_semaphore, #tpu.memory_space<semaphore_mem>>) src(%dma_wait3A_33 : memref<24064xi32, #tpu.memory_space<hbm>>) dst(%arg6 : memref<24064xi32, #tpu.memory_space<vmem>>)
      tpu.yield
    }) : () -> ()
    %barrier3A = arith.constant 0 : index
    tpu.barrier barrier_id(%barrier3A)
    %sub3A = arith.constant 0 : i32
    %sub3A_15 = arith.subi %select_n3A_14, %sub3A : i32
    %sub3A_16 = arith.constant 1 : i32
    %sub3A_17 = arith.constant 1 : i32
    %sub3A_18 = arith.subi %sub3A_16, %sub3A_17 : i32
    %add3A_19 = arith.addi %sub3A_15, %sub3A_18 : i32
    %div3A = arith.constant 1 : i32
    %div3A_20 = arith.divsi %add3A_19, %div3A : i32
    %while3A = arith.constant 1 : i32
    %while3A_21 = arith.constant 0 : i32
    %while3A_22 = arith.constant 0 : i32
    %while3A_23 = arith.subi %div3A_20, %while3A_22 : i32
    %while3A_24 = arith.addi %while3A_22, %while3A_23 : i32
    %while3A_25 = arith.constant 1 : i32
    %while3A_26 = arith.divsi %while3A_23, %while3A_25 : i32
    %while3A_27 = arith.muli %while3A_26, %while3A_25 : i32
    %while3A_28 = arith.addi %while3A_22, %while3A_27 : i32
    %while3A_29 = arith.constant 1 : i32
    scf.for %while3A_32 = %while3A_22 to %while3A_28 step %while3A_29  : i32 {
      %mul3A_33 = arith.muli %while3A_32, %while3A : i32
      %add3A_34 = arith.addi %while3A_21, %mul3A_33 : i32
      %mul3A_35 = arith.constant 256 : i32
      %mul3A_36 = arith.muli %add3A_34, %mul3A_35 : i32
      %dma_start3A = tpu.memref_slice %arg6[%mul3A_36] : memref<24064xi32, #tpu.memory_space<vmem>> -> memref<128xi32, #tpu.memory_space<vmem>>
      %dma_start3A_37 = arith.constant 0 : i32
      %dma_start3A_38 = arith.constant 0 : i32
      %dma_start3A_39 = tpu.memref_slice %arg2[%dma_start3A_37, %dma_start3A_38] : memref<10240x128xf32, #tpu.memory_space<hbm>> -> memref<10240x128xf32, #tpu.memory_space<hbm>>
      tpu.enqueue_indirect_dma source(%dma_start3A_39 : memref<10240x128xf32, #tpu.memory_space<hbm>>) target(%arg7 : memref<128x128xf32, #tpu.memory_space<vmem>>) offsets(%dma_start3A : memref<128xi32, #tpu.memory_space<vmem>>) semaphore(%arg9 : memref<!tpu.dma_semaphore, #tpu.memory_space<semaphore_mem>>)
      %dma_wait3A = tpu.memref_slice %arg6[%mul3A_36] : memref<24064xi32, #tpu.memory_space<vmem>> -> memref<128xi32, #tpu.memory_space<vmem>>
      %dma_wait3A_40 = arith.constant 0 : i32
      %dma_wait3A_41 = arith.constant 0 : i32
      %dma_wait3A_42 = tpu.memref_slice %arg2[%dma_wait3A_40, %dma_wait3A_41] : memref<10240x128xf32, #tpu.memory_space<hbm>> -> memref<10240x128xf32, #tpu.memory_space<hbm>>
      tpu.wait_indirect_dma semaphore(%arg9 : memref<!tpu.dma_semaphore, #tpu.memory_space<semaphore_mem>>) src(%dma_wait3A_42 : memref<10240x128xf32, #tpu.memory_space<hbm>>) dst(%arg7 : memref<128x128xf32, #tpu.memory_space<vmem>>)
      %mul3A_43 = arith.constant 256 : i32
      %mul3A_44 = arith.muli %add3A_34, %mul3A_43 : i32
      %add3A_45 = arith.constant 128 : i32
      %add3A_46 = arith.addi %mul3A_44, %add3A_45 : i32
      "tpu.region"() ({
        %run_scoped3A = tpu.sem_alloc : memref<!tpu.dma_semaphore, #tpu.memory_space<semaphore_mem>>
        %dma_start3A_47 = tpu.memref_slice %arg6[%add3A_46] : memref<24064xi32, #tpu.memory_space<vmem>> -> memref<128xi32, #tpu.memory_space<vmem>>
        %dma_start3A_48 = arith.constant 0 : i32
        %dma_start3A_49 = arith.constant 0 : i32
        %dma_start3A_50 = tpu.memref_slice %arg8[%dma_start3A_48, %dma_start3A_49] : memref<10240x128xf32, #tpu.memory_space<vmem_shared>> -> memref<10240x128xf32, #tpu.memory_space<vmem_shared>>
        tpu.enqueue_indirect_dma source(%arg7 : memref<128x128xf32, #tpu.memory_space<vmem>>) target(%dma_start3A_50 : memref<10240x128xf32, #tpu.memory_space<vmem_shared>>) offsets(%dma_start3A_47 : memref<128xi32, #tpu.memory_space<vmem>>) semaphore(%run_scoped3A : memref<!tpu.dma_semaphore, #tpu.memory_space<semaphore_mem>>) {add = true}
        %dma_wait3A_51 = tpu.memref_slice %arg6[%add3A_46] : memref<24064xi32, #tpu.memory_space<vmem>> -> memref<128xi32, #tpu.memory_space<vmem>>
        %dma_wait3A_52 = arith.constant 0 : i32
        %dma_wait3A_53 = arith.constant 0 : i32
        %dma_wait3A_54 = tpu.memref_slice %arg8[%dma_wait3A_52, %dma_wait3A_53] : memref<10240x128xf32, #tpu.memory_space<vmem_shared>> -> memref<10240x128xf32, #tpu.memory_space<vmem_shared>>
        tpu.wait_indirect_dma semaphore(%run_scoped3A : memref<!tpu.dma_semaphore, #tpu.memory_space<semaphore_mem>>) src(%arg7 : memref<128x128xf32, #tpu.memory_space<vmem>>) dst(%dma_wait3A_54 : memref<10240x128xf32, #tpu.memory_space<vmem_shared>>)
        tpu.yield
      }) : () -> ()
    }
    %while3A_30 = arith.constant 1 : i32
    scf.for %while3A_32 = %while3A_28 to %while3A_24 step %while3A_30  : i32 {
      %mul3A_33 = arith.muli %while3A_32, %while3A : i32
      %add3A_34 = arith.addi %while3A_21, %mul3A_33 : i32
      %mul3A_35 = arith.constant 256 : i32
      %mul3A_36 = arith.muli %add3A_34, %mul3A_35 : i32
      %dma_start3A = tpu.memref_slice %arg6[%mul3A_36] : memref<24064xi32, #tpu.memory_space<vmem>> -> memref<128xi32, #tpu.memory_space<vmem>>
      %dma_start3A_37 = arith.constant 0 : i32
      %dma_start3A_38 = arith.constant 0 : i32
      %dma_start3A_39 = tpu.memref_slice %arg2[%dma_start3A_37, %dma_start3A_38] : memref<10240x128xf32, #tpu.memory_space<hbm>> -> memref<10240x128xf32, #tpu.memory_space<hbm>>
      tpu.enqueue_indirect_dma source(%dma_start3A_39 : memref<10240x128xf32, #tpu.memory_space<hbm>>) target(%arg7 : memref<128x128xf32, #tpu.memory_space<vmem>>) offsets(%dma_start3A : memref<128xi32, #tpu.memory_space<vmem>>) semaphore(%arg9 : memref<!tpu.dma_semaphore, #tpu.memory_space<semaphore_mem>>)
      %dma_wait3A = tpu.memref_slice %arg6[%mul3A_36] : memref<24064xi32, #tpu.memory_space<vmem>> -> memref<128xi32, #tpu.memory_space<vmem>>
      %dma_wait3A_40 = arith.constant 0 : i32
      %dma_wait3A_41 = arith.constant 0 : i32
      %dma_wait3A_42 = tpu.memref_slice %arg2[%dma_wait3A_40, %dma_wait3A_41] : memref<10240x128xf32, #tpu.memory_space<hbm>> -> memref<10240x128xf32, #tpu.memory_space<hbm>>
      tpu.wait_indirect_dma semaphore(%arg9 : memref<!tpu.dma_semaphore, #tpu.memory_space<semaphore_mem>>) src(%dma_wait3A_42 : memref<10240x128xf32, #tpu.memory_space<hbm>>) dst(%arg7 : memref<128x128xf32, #tpu.memory_space<vmem>>)
      %mul3A_43 = arith.constant 256 : i32
      %mul3A_44 = arith.muli %add3A_34, %mul3A_43 : i32
      %add3A_45 = arith.constant 128 : i32
      %add3A_46 = arith.addi %mul3A_44, %add3A_45 : i32
      "tpu.region"() ({
        %run_scoped3A = tpu.sem_alloc : memref<!tpu.dma_semaphore, #tpu.memory_space<semaphore_mem>>
        %dma_start3A_47 = tpu.memref_slice %arg6[%add3A_46] : memref<24064xi32, #tpu.memory_space<vmem>> -> memref<128xi32, #tpu.memory_space<vmem>>
        %dma_start3A_48 = arith.constant 0 : i32
        %dma_start3A_49 = arith.constant 0 : i32
        %dma_start3A_50 = tpu.memref_slice %arg8[%dma_start3A_48, %dma_start3A_49] : memref<10240x128xf32, #tpu.memory_space<vmem_shared>> -> memref<10240x128xf32, #tpu.memory_space<vmem_shared>>
        tpu.enqueue_indirect_dma source(%arg7 : memref<128x128xf32, #tpu.memory_space<vmem>>) target(%dma_start3A_50 : memref<10240x128xf32, #tpu.memory_space<vmem_shared>>) offsets(%dma_start3A_47 : memref<128xi32, #tpu.memory_space<vmem>>) semaphore(%run_scoped3A : memref<!tpu.dma_semaphore, #tpu.memory_space<semaphore_mem>>) {add = true}
        %dma_wait3A_51 = tpu.memref_slice %arg6[%add3A_46] : memref<24064xi32, #tpu.memory_space<vmem>> -> memref<128xi32, #tpu.memory_space<vmem>>
        %dma_wait3A_52 = arith.constant 0 : i32
        %dma_wait3A_53 = arith.constant 0 : i32
        %dma_wait3A_54 = tpu.memref_slice %arg8[%dma_wait3A_52, %dma_wait3A_53] : memref<10240x128xf32, #tpu.memory_space<vmem_shared>> -> memref<10240x128xf32, #tpu.memory_space<vmem_shared>>
        tpu.wait_indirect_dma semaphore(%run_scoped3A : memref<!tpu.dma_semaphore, #tpu.memory_space<semaphore_mem>>) src(%arg7 : memref<128x128xf32, #tpu.memory_space<vmem>>) dst(%dma_wait3A_54 : memref<10240x128xf32, #tpu.memory_space<vmem_shared>>)
        tpu.yield
      }) : () -> ()
    }
    %barrier3A_31 = arith.constant 0 : index
    tpu.barrier barrier_id(%barrier3A_31)
    "tpu.region"() ({
      %run_scoped3A = tpu.sem_alloc : memref<!tpu.dma_semaphore, #tpu.memory_space<semaphore_mem>>
      %dma_start3A = arith.constant 0 : i32
      %dma_start3A_32 = tpu.memref_slice %arg5[%arg0, %mul3A_0, %dma_start3A] : memref<2x10240x128xf32, #tpu.memory_space<hbm>> -> memref<1x640x128xf32, #tpu.memory_space<hbm>>
      %dma_start3A_33 = tpu.memref_squeeze %dma_start3A_32 : memref<1x640x128xf32, #tpu.memory_space<hbm>> -> memref<640x128xf32, #tpu.memory_space<hbm>>
      %dma_start3A_34 = arith.constant 0 : i32
      %dma_start3A_35 = tpu.memref_slice %arg8[%mul3A_0, %dma_start3A_34] : memref<10240x128xf32, #tpu.memory_space<vmem_shared>> -> memref<640x128xf32, #tpu.memory_space<vmem_shared>>
      tpu.enqueue_dma source(%dma_start3A_35 : memref<640x128xf32, #tpu.memory_space<vmem_shared>>) target(%dma_start3A_33 : memref<640x128xf32, #tpu.memory_space<hbm>>) target_semaphore(%run_scoped3A : memref<!tpu.dma_semaphore, #tpu.memory_space<semaphore_mem>>)
      %dma_wait3A = arith.constant 0 : i32
      %dma_wait3A_36 = tpu.memref_slice %arg5[%arg0, %mul3A_0, %dma_wait3A] : memref<2x10240x128xf32, #tpu.memory_space<hbm>> -> memref<1x640x128xf32, #tpu.memory_space<hbm>>
      %dma_wait3A_37 = tpu.memref_squeeze %dma_wait3A_36 : memref<1x640x128xf32, #tpu.memory_space<hbm>> -> memref<640x128xf32, #tpu.memory_space<hbm>>
      %dma_wait3A_38 = arith.constant 0 : i32
      %dma_wait3A_39 = tpu.memref_slice %arg8[%mul3A_0, %dma_wait3A_38] : memref<10240x128xf32, #tpu.memory_space<vmem_shared>> -> memref<640x128xf32, #tpu.memory_space<vmem_shared>>
      tpu.wait_dma2 semaphore(%run_scoped3A : memref<!tpu.dma_semaphore, #tpu.memory_space<semaphore_mem>>) src(%dma_wait3A_39 : memref<640x128xf32, #tpu.memory_space<vmem_shared>>) dst(%dma_wait3A_37 : memref<640x128xf32, #tpu.memory_space<hbm>>)
      tpu.yield
    }) : () -> ()
    return
  }
}

module attributes {stable_mosaic.version = 14 : i64} {
  func.func @body(%arg0: i32, %arg1: memref<2x1024x128xf32, #tpu.memory_space<vmem>>, %arg2: memref<1024x128xf32, #tpu.memory_space<vmem>>, %arg3: memref<128x128xf32, #tpu.memory_space<vmem>>, %arg4: memref<1024x128xf32, #tpu.memory_space<vmem>>) attributes {dimension_semantics = [#tpu.dimension_semantics<arbitrary>], iteration_bounds = array<i64: 10>, scalar_prefetch = 0 : i64, scratch_operands = 0 : i64, tpu.core_type = #tpu.core_type<tc>, window_params = [{transform_indices = @transform_0, window_bounds = array<i64: 2, 1024, 128>}, {transform_indices = @transform_1, window_bounds = array<i64: 1024, 128>}, {pipeline_mode = #tpu.pipeline_mode<synchronous>, transform_indices = @transform_2, window_bounds = array<i64: 128, 128>}, {transform_indices = @transform_3, window_bounds = array<i64: 1024, 128>}]} {
    %get3A = arith.constant 0 : index
    %get3A_0 = arith.constant 0 : index
    %get3A_1 = arith.constant 0 : index
    %get3A_2 = vector.load %arg1[%get3A, %get3A_0, %get3A_1] : memref<2x1024x128xf32, #tpu.memory_space<vmem>>, vector<2x1024x128xf32>
    %slice3A = vector.extract_strided_slice %get3A_2 {offsets = [0, 0, 0], sizes = [1, 1024, 1], strides = [1, 1, 1]} : vector<2x1024x128xf32> to vector<1x1024x1xf32>
    %squeeze3A = vector.shape_cast %slice3A : vector<1x1024x1xf32> to vector<1024x1xf32>
    %slice3A_3 = vector.extract_strided_slice %get3A_2 {offsets = [1, 0, 0], sizes = [1, 1024, 1], strides = [1, 1, 1]} : vector<2x1024x128xf32> to vector<1x1024x1xf32>
    %squeeze3A_4 = vector.shape_cast %slice3A_3 : vector<1x1024x1xf32> to vector<1024x1xf32>
    %add3A = arith.addf %squeeze3A, %squeeze3A_4 : vector<1024x1xf32>
    %add3A_5 = arith.constant 1.000000e+00 : f32
    %add3A_6 = vector.broadcast %add3A_5 : f32 to vector<1024x1xf32>
    %add3A_7 = arith.addf %add3A, %add3A_6 : vector<1024x1xf32>
    %rsqrt3A = math.rsqrt %add3A_7 : vector<1024x1xf32>
    %get3A_8 = arith.constant 0 : index
    %get3A_9 = arith.constant 0 : index
    %get3A_10 = vector.load %arg2[%get3A_8, %get3A_9] : memref<1024x128xf32, #tpu.memory_space<vmem>>, vector<1024x128xf32>
    %get3A_11 = arith.constant 0 : index
    %get3A_12 = arith.constant 0 : index
    %get3A_13 = vector.load %arg3[%get3A_11, %get3A_12] : memref<128x128xf32, #tpu.memory_space<vmem>>, vector<128x128xf32>
    %dot_general3A = arith.constant dense<0.000000e+00> : vector<1024x128xf32>
    %dot_general3A_14 = tpu.matmul %get3A_10, %get3A_13, %dot_general3A {dimension_numbers = #tpu.dot_dimension_numbers<[1], [0], [0], [1], [0, 0, 1, 1], [], []>, transpose_lhs_hint = false} : vector<1024x128xf32>, vector<128x128xf32>, vector<1024x128xf32> -> vector<1024x128xf32>
    %mul3A = vector.broadcast %rsqrt3A : vector<1024x1xf32> to vector<1024x128xf32>
    %mul3A_15 = arith.mulf %dot_general3A_14, %mul3A : vector<1024x128xf32>
    %swap3A = arith.constant 0 : index
    %swap3A_16 = arith.constant 0 : index
    %swap3A_17 = vector.load %arg4[%swap3A, %swap3A_16] : memref<1024x128xf32, #tpu.memory_space<vmem>>, vector<1024x128xf32>
    tpu.vector_store %arg4[%swap3A, %swap3A_16], %mul3A_15 {strides = array<i32>} : memref<1024x128xf32, #tpu.memory_space<vmem>>, vector<1024x128xf32>,
    return
  }
  func.func @transform_0(%arg0: i32) -> (i32, i32, i32) {
    %c0_i32 = arith.constant 0 : i32
    %c0_i32_0 = arith.constant 0 : i32
    %c0_i32_1 = arith.constant 0 : i32
    return %c0_i32, %arg0, %c0_i32_0 : i32, i32, i32
  }
  func.func @transform_1(%arg0: i32) -> (i32, i32) {
    %c0_i32 = arith.constant 0 : i32
    %c0_i32_0 = arith.constant 0 : i32
    return %arg0, %c0_i32 : i32, i32
  }
  func.func @transform_2(%arg0: i32) -> (i32, i32) {
    %c0_i32 = arith.constant 0 : i32
    %c0_i32_0 = arith.constant 0 : i32
    %c0_i32_1 = arith.constant 0 : i32
    return %c0_i32, %c0_i32_0 : i32, i32
  }
  func.func @transform_3(%arg0: i32) -> (i32, i32) {
    %c0_i32 = arith.constant 0 : i32
    %c0_i32_0 = arith.constant 0 : i32
    return %arg0, %c0_i32 : i32, i32
  }
}

module attributes {stable_mosaic.version = 14 : i64} {
  func.func @body(%arg0: i32, %arg1: memref<2x1024x128xf32, #tpu.memory_space<vmem>>, %arg2: memref<1024x128xf32, #tpu.memory_space<vmem>>, %arg3: memref<2x1024x128xf32, #tpu.memory_space<vmem>>, %arg4: memref<128x128xf32, #tpu.memory_space<vmem>>, %arg5: memref<1x128xf32, #tpu.memory_space<vmem>>, %arg6: memref<1024x128xf32, #tpu.memory_space<vmem>>) attributes {dimension_semantics = [#tpu.dimension_semantics<arbitrary>], iteration_bounds = array<i64: 10>, scalar_prefetch = 0 : i64, scratch_operands = 0 : i64, tpu.core_type = #tpu.core_type<tc>, window_params = [{transform_indices = @transform_0, window_bounds = array<i64: 2, 1024, 128>}, {transform_indices = @transform_1, window_bounds = array<i64: 1024, 128>}, {transform_indices = @transform_2, window_bounds = array<i64: 2, 1024, 128>}, {pipeline_mode = #tpu.pipeline_mode<synchronous>, transform_indices = @transform_3, window_bounds = array<i64: 128, 128>}, {pipeline_mode = #tpu.pipeline_mode<synchronous>, transform_indices = @transform_4, window_bounds = array<i64: 1, 128>}, {transform_indices = @transform_5, window_bounds = array<i64: 1024, 128>}]} {
    %get3A = arith.constant 0 : index
    %get3A_0 = arith.constant 0 : index
    %get3A_1 = arith.constant 0 : index
    %get3A_2 = vector.load %arg3[%get3A, %get3A_0, %get3A_1] : memref<2x1024x128xf32, #tpu.memory_space<vmem>>, vector<2x1024x128xf32>
    %slice3A = vector.extract_strided_slice %get3A_2 {offsets = [0, 0, 0], sizes = [1, 1024, 1], strides = [1, 1, 1]} : vector<2x1024x128xf32> to vector<1x1024x1xf32>
    %squeeze3A = vector.shape_cast %slice3A : vector<1x1024x1xf32> to vector<1024x1xf32>
    %slice3A_3 = vector.extract_strided_slice %get3A_2 {offsets = [1, 0, 0], sizes = [1, 1024, 1], strides = [1, 1, 1]} : vector<2x1024x128xf32> to vector<1x1024x1xf32>
    %squeeze3A_4 = vector.shape_cast %slice3A_3 : vector<1x1024x1xf32> to vector<1024x1xf32>
    %add3A = arith.addf %squeeze3A, %squeeze3A_4 : vector<1024x1xf32>
    %add3A_5 = arith.constant 1.000000e+00 : f32
    %add3A_6 = vector.broadcast %add3A_5 : f32 to vector<1024x1xf32>
    %add3A_7 = arith.addf %add3A, %add3A_6 : vector<1024x1xf32>
    %rsqrt3A = math.rsqrt %add3A_7 : vector<1024x1xf32>
    %get3A_8 = arith.constant 0 : index
    %get3A_9 = arith.constant 0 : index
    %get3A_10 = arith.constant 0 : index
    %get3A_11 = vector.load %arg1[%get3A_8, %get3A_9, %get3A_10] : memref<2x1024x128xf32, #tpu.memory_space<vmem>>, vector<1x1024x128xf32>
    %get3A_12 = vector.shape_cast %get3A_11 : vector<1x1024x128xf32> to vector<1024x128xf32>
    %get3A_13 = arith.constant 1 : index
    %get3A_14 = arith.constant 0 : index
    %get3A_15 = arith.constant 0 : index
    %get3A_16 = vector.load %arg1[%get3A_13, %get3A_14, %get3A_15] : memref<2x1024x128xf32, #tpu.memory_space<vmem>>, vector<1x1024x128xf32>
    %get3A_17 = vector.shape_cast %get3A_16 : vector<1x1024x128xf32> to vector<1024x128xf32>
    %add3A_18 = arith.addf %get3A_12, %get3A_17 : vector<1024x128xf32>
    %get3A_19 = arith.constant 0 : index
    %get3A_20 = arith.constant 0 : index
    %get3A_21 = vector.load %arg2[%get3A_19, %get3A_20] : memref<1024x128xf32, #tpu.memory_space<vmem>>, vector<1024x128xf32>
    %add3A_22 = arith.addf %add3A_18, %get3A_21 : vector<1024x128xf32>
    %mul3A = vector.broadcast %rsqrt3A : vector<1024x1xf32> to vector<1024x128xf32>
    %mul3A_23 = arith.mulf %add3A_22, %mul3A : vector<1024x128xf32>
    %get3A_24 = arith.constant 0 : index
    %get3A_25 = arith.constant 0 : index
    %get3A_26 = vector.load %arg5[%get3A_24, %get3A_25] : memref<1x128xf32, #tpu.memory_space<vmem>>, vector<1x128xf32>
    %add3A_27 = vector.broadcast %get3A_26 : vector<1x128xf32> to vector<1024x128xf32>
    %add3A_28 = arith.addf %mul3A_23, %add3A_27 : vector<1024x128xf32>
    %max3A = arith.constant 0.000000e+00 : f32
    %max3A_29 = vector.broadcast %max3A : f32 to vector<1024x128xf32>
    %max3A_30 = arith.maximumf %add3A_28, %max3A_29 : vector<1024x128xf32>
    %get3A_31 = arith.constant 0 : index
    %get3A_32 = arith.constant 0 : index
    %get3A_33 = vector.load %arg4[%get3A_31, %get3A_32] : memref<128x128xf32, #tpu.memory_space<vmem>>, vector<128x128xf32>
    %dot_general3A = arith.constant dense<0.000000e+00> : vector<1024x128xf32>
    %dot_general3A_34 = tpu.matmul %max3A_30, %get3A_33, %dot_general3A {dimension_numbers = #tpu.dot_dimension_numbers<[1], [0], [0], [1], [0, 0, 1, 1], [], []>, transpose_lhs_hint = false} : vector<1024x128xf32>, vector<128x128xf32>, vector<1024x128xf32> -> vector<1024x128xf32>
    %mul3A_35 = vector.broadcast %rsqrt3A : vector<1024x1xf32> to vector<1024x128xf32>
    %mul3A_36 = arith.mulf %dot_general3A_34, %mul3A_35 : vector<1024x128xf32>
    %swap3A = arith.constant 0 : index
    %swap3A_37 = arith.constant 0 : index
    %swap3A_38 = vector.load %arg6[%swap3A, %swap3A_37] : memref<1024x128xf32, #tpu.memory_space<vmem>>, vector<1024x128xf32>
    tpu.vector_store %arg6[%swap3A, %swap3A_37], %mul3A_36 {strides = array<i32>} : memref<1024x128xf32, #tpu.memory_space<vmem>>, vector<1024x128xf32>,
    return
  }
  func.func @transform_0(%arg0: i32) -> (i32, i32, i32) {
    %c0_i32 = arith.constant 0 : i32
    %c0_i32_0 = arith.constant 0 : i32
    %c0_i32_1 = arith.constant 0 : i32
    return %c0_i32, %arg0, %c0_i32_0 : i32, i32, i32
  }
  func.func @transform_1(%arg0: i32) -> (i32, i32) {
    %c0_i32 = arith.constant 0 : i32
    %c0_i32_0 = arith.constant 0 : i32
    return %arg0, %c0_i32 : i32, i32
  }
  func.func @transform_2(%arg0: i32) -> (i32, i32, i32) {
    %c0_i32 = arith.constant 0 : i32
    %c0_i32_0 = arith.constant 0 : i32
    %c0_i32_1 = arith.constant 0 : i32
    return %c0_i32, %arg0, %c0_i32_0 : i32, i32, i32
  }
  func.func @transform_3(%arg0: i32) -> (i32, i32) {
    %c0_i32 = arith.constant 0 : i32
    %c0_i32_0 = arith.constant 0 : i32
    %c0_i32_1 = arith.constant 0 : i32
    return %c0_i32, %c0_i32_0 : i32, i32
  }
  func.func @transform_4(%arg0: i32) -> (i32, i32) {
    %c0_i32 = arith.constant 0 : i32
    %c0_i32_0 = arith.constant 0 : i32
    %c0_i32_1 = arith.constant 0 : i32
    return %c0_i32, %c0_i32_0 : i32, i32
  }
  func.func @transform_5(%arg0: i32) -> (i32, i32) {
    %c0_i32 = arith.constant 0 : i32
    %c0_i32_0 = arith.constant 0 : i32
    return %arg0, %c0_i32 : i32, i32
  }
}

module attributes {stable_mosaic.version = 14 : i64} {
  func.func @body(%arg0: i32, %arg1: memref<2x1024x128xf32, #tpu.memory_space<vmem>>, %arg2: memref<1024x128xf32, #tpu.memory_space<vmem>>, %arg3: memref<2x1024x128xf32, #tpu.memory_space<vmem>>, %arg4: memref<1x128xf32, #tpu.memory_space<vmem>>, %arg5: memref<1024x128xi32, #tpu.memory_space<vmem>>, %arg6: memref<64x128xf32, #tpu.memory_space<vmem>>, %arg7: memref<128x128xf32, #tpu.memory_space<vmem>>, %arg8: memref<128x128xf32, #tpu.memory_space<vmem>>) attributes {dimension_semantics = [#tpu.dimension_semantics<arbitrary>], iteration_bounds = array<i64: 10>, scalar_prefetch = 0 : i64, scratch_operands = 2 : i64, tpu.core_type = #tpu.core_type<tc>, window_params = [{transform_indices = @transform_0, window_bounds = array<i64: 2, 1024, 128>}, {transform_indices = @transform_1, window_bounds = array<i64: 1024, 128>}, {transform_indices = @transform_2, window_bounds = array<i64: 2, 1024, 128>}, {pipeline_mode = #tpu.pipeline_mode<synchronous>, transform_indices = @transform_3, window_bounds = array<i64: 1, 128>}, {transform_indices = @transform_4, window_bounds = array<i64: 1024, 128>}, {pipeline_mode = #tpu.pipeline_mode<synchronous>, transform_indices = @transform_5, window_bounds = array<i64: 64, 128>}]} {
    %eq3A = arith.constant 0 : i32
    %eq3A_0 = arith.cmpi eq, %arg0, %eq3A : i32
    %convert_element_type3A = arith.extui %eq3A_0 : i1 to i32
    %cond3A = arith.constant 0 : i32
    %cond3A_1 = arith.cmpi ne, %convert_element_type3A, %cond3A : i32
    scf.if %cond3A_1 {
      %broadcast_in_dim3A_62 = arith.constant 0.000000e+00 : f32
      %broadcast_in_dim3A_63 = vector.broadcast %broadcast_in_dim3A_62 : f32 to vector<128x128xf32>
      %swap3A_64 = arith.constant 0 : index
      %swap3A_65 = arith.constant 0 : index
      %swap3A_66 = vector.load %arg7[%swap3A_64, %swap3A_65] : memref<128x128xf32, #tpu.memory_space<vmem>>, vector<128x128xf32>
      tpu.vector_store %arg7[%swap3A_64, %swap3A_65], %broadcast_in_dim3A_63 {strides = array<i32>} : memref<128x128xf32, #tpu.memory_space<vmem>>, vector<128x128xf32>,
      %broadcast_in_dim3A_67 = arith.constant 0.000000e+00 : f32
      %broadcast_in_dim3A_68 = vector.broadcast %broadcast_in_dim3A_67 : f32 to vector<128x128xf32>
      %swap3A_69 = arith.constant 0 : index
      %swap3A_70 = arith.constant 0 : index
      %swap3A_71 = vector.load %arg8[%swap3A_69, %swap3A_70] : memref<128x128xf32, #tpu.memory_space<vmem>>, vector<128x128xf32>
      tpu.vector_store %arg8[%swap3A_69, %swap3A_70], %broadcast_in_dim3A_68 {strides = array<i32>} : memref<128x128xf32, #tpu.memory_space<vmem>>, vector<128x128xf32>,
    } else {
    }
    %get3A = arith.constant 0 : index
    %get3A_2 = arith.constant 0 : index
    %get3A_3 = arith.constant 0 : index
    %get3A_4 = vector.load %arg3[%get3A, %get3A_2, %get3A_3] : memref<2x1024x128xf32, #tpu.memory_space<vmem>>, vector<2x1024x128xf32>
    %slice3A = vector.extract_strided_slice %get3A_4 {offsets = [0, 0, 0], sizes = [1, 1024, 1], strides = [1, 1, 1]} : vector<2x1024x128xf32> to vector<1x1024x1xf32>
    %squeeze3A = vector.shape_cast %slice3A : vector<1x1024x1xf32> to vector<1024x1xf32>
    %slice3A_5 = vector.extract_strided_slice %get3A_4 {offsets = [1, 0, 0], sizes = [1, 1024, 1], strides = [1, 1, 1]} : vector<2x1024x128xf32> to vector<1x1024x1xf32>
    %squeeze3A_6 = vector.shape_cast %slice3A_5 : vector<1x1024x1xf32> to vector<1024x1xf32>
    %add3A = arith.addf %squeeze3A, %squeeze3A_6 : vector<1024x1xf32>
    %add3A_7 = arith.constant 1.000000e+00 : f32
    %add3A_8 = vector.broadcast %add3A_7 : f32 to vector<1024x1xf32>
    %add3A_9 = arith.addf %add3A, %add3A_8 : vector<1024x1xf32>
    %rsqrt3A = math.rsqrt %add3A_9 : vector<1024x1xf32>
    %get3A_10 = arith.constant 0 : index
    %get3A_11 = arith.constant 0 : index
    %get3A_12 = arith.constant 0 : index
    %get3A_13 = vector.load %arg1[%get3A_10, %get3A_11, %get3A_12] : memref<2x1024x128xf32, #tpu.memory_space<vmem>>, vector<1x1024x128xf32>
    %get3A_14 = vector.shape_cast %get3A_13 : vector<1x1024x128xf32> to vector<1024x128xf32>
    %get3A_15 = arith.constant 1 : index
    %get3A_16 = arith.constant 0 : index
    %get3A_17 = arith.constant 0 : index
    %get3A_18 = vector.load %arg1[%get3A_15, %get3A_16, %get3A_17] : memref<2x1024x128xf32, #tpu.memory_space<vmem>>, vector<1x1024x128xf32>
    %get3A_19 = vector.shape_cast %get3A_18 : vector<1x1024x128xf32> to vector<1024x128xf32>
    %add3A_20 = arith.addf %get3A_14, %get3A_19 : vector<1024x128xf32>
    %get3A_21 = arith.constant 0 : index
    %get3A_22 = arith.constant 0 : index
    %get3A_23 = vector.load %arg2[%get3A_21, %get3A_22] : memref<1024x128xf32, #tpu.memory_space<vmem>>, vector<1024x128xf32>
    %add3A_24 = arith.addf %add3A_20, %get3A_23 : vector<1024x128xf32>
    %mul3A = vector.broadcast %rsqrt3A : vector<1024x1xf32> to vector<1024x128xf32>
    %mul3A_25 = arith.mulf %add3A_24, %mul3A : vector<1024x128xf32>
    %get3A_26 = arith.constant 0 : index
    %get3A_27 = arith.constant 0 : index
    %get3A_28 = vector.load %arg4[%get3A_26, %get3A_27] : memref<1x128xf32, #tpu.memory_space<vmem>>, vector<1x128xf32>
    %add3A_29 = vector.broadcast %get3A_28 : vector<1x128xf32> to vector<1024x128xf32>
    %add3A_30 = arith.addf %mul3A_25, %add3A_29 : vector<1024x128xf32>
    %iota3A = tpu.iota {dimensions = array<i32: 1>} : vector<1024x128xi32>
    %get3A_31 = arith.constant 0 : index
    %get3A_32 = arith.constant 0 : index
    %get3A_33 = vector.load %arg5[%get3A_31, %get3A_32] : memref<1024x128xi32, #tpu.memory_space<vmem>>, vector<1024x128xi32>
    %eq3A_34 = arith.cmpi eq, %get3A_33, %iota3A : vector<1024x128xi32>
    %lt3A = arith.constant 64 : i32
    %lt3A_35 = vector.broadcast %lt3A : i32 to vector<1024x128xi32>
    %lt3A_36 = arith.cmpi slt, %iota3A, %lt3A_35 : vector<1024x128xi32>
    %and3A = arith.andi %eq3A_34, %lt3A_36 : vector<1024x128xi1>
    %jit3A = arith.constant 1.000000e+00 : f32
    %jit3A_37 = arith.constant 0.000000e+00 : f32
    %broadcast_in_dim3A = vector.broadcast %jit3A : f32 to vector<1024x128xf32>
    %broadcast_in_dim3A_38 = vector.broadcast %jit3A_37 : f32 to vector<1024x128xf32>
    %select_n3A = arith.select %and3A, %broadcast_in_dim3A, %broadcast_in_dim3A_38 : vector<1024x128xi1>, vector<1024x128xf32>
    %get3A_39 = arith.constant 0 : index
    %get3A_40 = arith.constant 0 : index
    %get3A_41 = vector.load %arg7[%get3A_39, %get3A_40] : memref<128x128xf32, #tpu.memory_space<vmem>>, vector<128x128xf32>
    %dot_general3A = arith.constant dense<0.000000e+00> : vector<128x128xf32>
    %dot_general3A_42 = tpu.matmul %select_n3A, %add3A_30, %dot_general3A {dimension_numbers = #tpu.dot_dimension_numbers<[0], [0], [1], [1], [0, 1, 1, 1], [], []>, transpose_lhs_hint = false} : vector<1024x128xf32>, vector<1024x128xf32>, vector<128x128xf32> -> vector<128x128xf32>
    %add3A_43 = arith.addf %get3A_41, %dot_general3A_42 : vector<128x128xf32>
    %swap3A = arith.constant 0 : index
    %swap3A_44 = arith.constant 0 : index
    %swap3A_45 = vector.load %arg7[%swap3A, %swap3A_44] : memref<128x128xf32, #tpu.memory_space<vmem>>, vector<128x128xf32>
    tpu.vector_store %arg7[%swap3A, %swap3A_44], %add3A_43 {strides = array<i32>} : memref<128x128xf32, #tpu.memory_space<vmem>>, vector<128x128xf32>,
    %get3A_46 = arith.constant 0 : index
    %get3A_47 = arith.constant 0 : index
    %get3A_48 = vector.load %arg8[%get3A_46, %get3A_47] : memref<128x128xf32, #tpu.memory_space<vmem>>, vector<128x128xf32>
    %broadcast_in_dim3A_49 = arith.constant 1.000000e+00 : f32
    %broadcast_in_dim3A_50 = vector.broadcast %broadcast_in_dim3A_49 : f32 to vector<1024x128xf32>
    %dot_general3A_51 = arith.constant dense<0.000000e+00> : vector<128x128xf32>
    %dot_general3A_52 = tpu.matmul %select_n3A, %broadcast_in_dim3A_50, %dot_general3A_51 {dimension_numbers = #tpu.dot_dimension_numbers<[0], [0], [1], [1], [0, 1, 1, 1], [], []>, transpose_lhs_hint = false} : vector<1024x128xf32>, vector<1024x128xf32>, vector<128x128xf32> -> vector<128x128xf32>
    %add3A_53 = arith.addf %get3A_48, %dot_general3A_52 : vector<128x128xf32>
    %swap3A_54 = arith.constant 0 : index
    %swap3A_55 = arith.constant 0 : index
    %swap3A_56 = vector.load %arg8[%swap3A_54, %swap3A_55] : memref<128x128xf32, #tpu.memory_space<vmem>>, vector<128x128xf32>
    tpu.vector_store %arg8[%swap3A_54, %swap3A_55], %add3A_53 {strides = array<i32>} : memref<128x128xf32, #tpu.memory_space<vmem>>, vector<128x128xf32>,
    %eq3A_57 = arith.constant 9 : i32
    %eq3A_58 = arith.cmpi eq, %arg0, %eq3A_57 : i32
    %convert_element_type3A_59 = arith.extui %eq3A_58 : i1 to i32
    %cond3A_60 = arith.constant 0 : i32
    %cond3A_61 = arith.cmpi ne, %convert_element_type3A_59, %cond3A_60 : i32
    scf.if %cond3A_61 {
      %get3A_62 = arith.constant 0 : index
      %get3A_63 = arith.constant 0 : index
      %get3A_64 = vector.load %arg7[%get3A_62, %get3A_63] : memref<128x128xf32, #tpu.memory_space<vmem>>, vector<64x128xf32>
      %get3A_65 = arith.constant 0 : index
      %get3A_66 = arith.constant 0 : index
      %get3A_67 = vector.load %arg8[%get3A_65, %get3A_66] : memref<128x128xf32, #tpu.memory_space<vmem>>, vector<64x128xf32>
      %max3A = arith.constant 1.000000e+00 : f32
      %max3A_68 = vector.broadcast %max3A : f32 to vector<64x128xf32>
      %max3A_69 = arith.maximumf %get3A_67, %max3A_68 : vector<64x128xf32>
      %div3A = arith.divf %get3A_64, %max3A_69 : vector<64x128xf32>
      %swap3A_70 = arith.constant 0 : index
      %swap3A_71 = arith.constant 0 : index
      %swap3A_72 = vector.load %arg6[%swap3A_70, %swap3A_71] : memref<64x128xf32, #tpu.memory_space<vmem>>, vector<64x128xf32>
      tpu.vector_store %arg6[%swap3A_70, %swap3A_71], %div3A {strides = array<i32>} : memref<64x128xf32, #tpu.memory_space<vmem>>, vector<64x128xf32>,
    } else {
    }
    return
  }
  func.func @transform_0(%arg0: i32) -> (i32, i32, i32) {
    %c0_i32 = arith.constant 0 : i32
    %c0_i32_0 = arith.constant 0 : i32
    %c0_i32_1 = arith.constant 0 : i32
    return %c0_i32, %arg0, %c0_i32_0 : i32, i32, i32
  }
  func.func @transform_1(%arg0: i32) -> (i32, i32) {
    %c0_i32 = arith.constant 0 : i32
    %c0_i32_0 = arith.constant 0 : i32
    return %arg0, %c0_i32 : i32, i32
  }
  func.func @transform_2(%arg0: i32) -> (i32, i32, i32) {
    %c0_i32 = arith.constant 0 : i32
    %c0_i32_0 = arith.constant 0 : i32
    %c0_i32_1 = arith.constant 0 : i32
    return %c0_i32, %arg0, %c0_i32_0 : i32, i32, i32
  }
  func.func @transform_3(%arg0: i32) -> (i32, i32) {
    %c0_i32 = arith.constant 0 : i32
    %c0_i32_0 = arith.constant 0 : i32
    %c0_i32_1 = arith.constant 0 : i32
    return %c0_i32, %c0_i32_0 : i32, i32
  }
  func.func @transform_4(%arg0: i32) -> (i32, i32) {
    %c0_i32 = arith.constant 0 : i32
    %c0_i32_0 = arith.constant 0 : i32
    return %arg0, %c0_i32 : i32, i32
  }
  func.func @transform_5(%arg0: i32) -> (i32, i32) {
    %c0_i32 = arith.constant 0 : i32
    %c0_i32_0 = arith.constant 0 : i32
    %c0_i32_1 = arith.constant 0 : i32
    return %c0_i32, %c0_i32_0 : i32, i32
  }
}

</mosaic_0001>

<sc_bundles>
// kernel: kernel.10.cloned.1.call-start
scs
__scs_entry_jumppad:
0x0: {  	(pc) =	sbr.rel $0x88, $3  }
0x1: {  	(tag) =	ssettag $0x0;
	lr =	simm.s32 $0x1  }
0x2: {  	[smem:$0x3F98] =	sst lr;
	_ =	strace $0xD0000000  }
0x3: {  	_ = 	snop  }
0x4: {  	_ = 	snop  }
0x5: {  	_ = 	snop  }
0x6: {  	_ = 	snop  }
0x7: {  	_ = 	snop  }
__scs_overlays_trampoline_lowered:
0x8: {  	[smem:$0x3FA7] =	sst s0  }
0x9: {  	[smem:$0x3FA8] =	sst s1  }
0xa: {  	[smem:$0x3FA9] =	sst s2  }
0xb: {  	[smem:$0x3FAA] =	sst s3  }
0xc: {  	[smem:$0x3FAB] =	sst s4  }
0xd: {  	[smem:$0x3FAC] =	sst s5  }
0xe: {  	[smem:$0x3FAD] =	sst s6  }
0xf: {  	[smem:$0x3FAE] =	sst s7  }
0x10: {  	[smem:$0x3FAF] =	sst s8  }
0x11: {  	[smem:$0x3FB0] =	sst s9;
	s0 =	simm.s32 @!p0 $0x0  }
0x12: {  	s1 =	sld [smem:$0x3F96];
	s0 =	simm.s32 @p0 $0x1  }
0x13: {  	[smem:$0x3FB1] =	sst s0;
	s0 =	simm.s32 @!p1 $0x0  }
0x14: {  	s2 =	sld [smem:$0x3F95];
	s0 =	simm.s32 @p1 $0x1  }
0x15: {  	[smem:$0x3FB2] =	sst s0;
	s0 =	simm.s32 @!p2 $0x0  }
0x16: {  	s3 =	sld [smem:$0x3FDB];
	s0 =	simm.s32 @p2 $0x1  }
0x17: {  	s4 =	simm.s32 $0x1BF5;
	[smem:$0x3FB4] =	sst s0  }
0x18: {  	s0 =	sld [smem:$0x3F97];
	_ =	swait.ge [sflag:s4], $0x0  }
0x19: {  	s7 =	sld [smem:$0x3F98]  }
0x1a: {  	s8 =	sadd.s32 $0xFFFFE003, lr  }
0x1b: {  	s9 =	sadd.s32 $0xFFFFFEF7, lr;
	s5 =	simm.s32 $0xFFFFFFFF;
	p2 =	slt.u32 s8, $0xFFFFF086  }
0x1c: {  	p1 =	slt.u32 s9, $0xF7A;
	s5 =	simm.s32 @!p2 $0x0  }
0x1d: {  	s5 =	simm.s32 @p1 $0x1;
	p0 =	seq.s32 s7, s2  }
0x1e: {  	s7 =	smul.u32 @!p0 $0xF7A, s2;
	p2 =	seq.s32 @!p0 s5, $0x0  }
0x1f: {  	s9 =	smul.u32 $0xF7A, s1;
	s8 =	simm.s32 @!p0 $0x1BF5;
	p2 =	por !p2, p0  }
0x20: {  	[sflag:s8] =	ssyncset.s32 @!p0 $0xFFFFF086;
	s6 =	sadd.s32 @!p0 s3, s7;
	s7 =	simm.s32 @!p0 $0x108  }
0x21: {  	s3 =	sadd.s32 s3, s9;
	s6 =	sadd.s32 @!p0 $0x88, s6;
	s7 =	simm.s32 @p2 $0x1082  }
0x22: {  	[simem:s7], [sflag:s8] =	dma.local @!p0 [hbm:s6], $0xF7A  }
0x23: {  	s9 =	sor.u32 $0xD0000000, s2;
	s6 =	simm.s32 $0x108;
	_ =	swait.ge @!p0 [sflag:s8], $0x0  }
0x24: {  	s3 =	sadd.s32 $0x88, s3;
	s6 =	simm.s32 @!p1 $0x1082;
	[sflag:s4] =	ssyncset.s32 $0xFFFFF086  }
0x25: {  	[simem:s6], [sflag:s4] =	dma.local [hbm:s3], $0xF7A  }
0x26: {  	[smem:$0x3F98] =	sst s1;
	(tag) =	ssettag s2;
	_ =	strace s9  }
0x27: {  	s1 =	sld [smem:$0x3FA8]  }
0x28: {  	s2 =	sld [smem:$0x3FA9]  }
0x29: {  	s4 =	sld [smem:$0x3FAB]  }
0x2a: {  	p0 =	seq.s32 s5, $0x0;
	s5 =	sld [smem:$0x3FAC]  }
0x2b: {  	s6 =	sld [smem:$0x3FAD]  }
0x2c: {  	s7 =	sld [smem:$0x3FAE]  }
0x2d: {  	s3 =	simm.s32 $0x108;
	s8 =	sld [smem:$0x3FAF]  }
0x2e: {  	s3 =	simm.s32 @!p0 $0x1082;
	s9 =	sld [smem:$0x3FB0]  }
0x2f: {  	lr =	sadd.s32 s0, s3;
	s0 =	sld [smem:$0x3FA7]  }
0x30: {  	s3 =	sld [smem:$0x3FAA]  }
0x31: {  	[smem:$0x3FB3] =	sst s10  }
0x32: {  	s10 =	sld [smem:$0x3FB1];
	_ =	sdelay $0x3  }
0x33: {  	p0 =	seq.s32 s10, $0x1;
	s10 =	sld [smem:$0x3FB3];
	_ =	sdelay $0x3  }
0x34: {  	[smem:$0x3FB3] =	sst s10  }
0x35: {  	s10 =	sld [smem:$0x3FB2];
	_ =	sdelay $0x3  }
0x36: {  	p1 =	seq.s32 s10, $0x1;
	s10 =	sld [smem:$0x3FB3];
	_ =	sdelay $0x3  }
0x37: {  	[smem:$0x3FB3] =	sst s10  }
0x38: {  	s10 =	sld [smem:$0x3FB4]  }
0x39: {  	_ = 	snop;
	(pc) =	sbr.ind lr, $3  }
0x3a: {  	_ = 	snop  }
0x3b: {  	_ = 	snop  }
0x3c: {  	p2 =	seq.s32 s10, $0x1;
	s10 =	sld [smem:$0x3FB3]  }
0x3d: {  	_ =	shalt  }
0x3e: {  	_ =	shalt  }
0x3f: {  	_ =	shalt  }
0x40: {  	_ =	shalt  }
0x41: {  	_ =	shalt  }
0x42: {  	_ =	shalt  }
0x43: {  	_ =	shalt  }
0x44: {  	_ =	shalt  }
0x45: {  	_ =	shalt  }
0x46: {  	_ =	shalt  }
0x47: {  	_ =	shalt  }
0x48: {  	_ =	shalt  }
0x49: {  	_ =	shalt  }
0x4a: {  	_ =	shalt  }
0x4b: {  	_ =	shalt  }
0x4c: {  	_ =	shalt  }
0x4d: {  	_ =	shalt  }
0x4e: {  	_ =	shalt  }
0x4f: {  	_ =	shalt  }
0x50: {  	_ =	shalt  }
0x51: {  	_ =	shalt  }
0x52: {  	_ =	shalt  }
0x53: {  	_ =	shalt  }
0x54: {  	_ =	shalt  }
0x55: {  	_ =	shalt  }
0x56: {  	_ =	shalt  }
0x57: {  	_ =	shalt  }
0x58: {  	_ =	shalt  }
0x59: {  	_ =	shalt  }
0x5a: {  	_ =	shalt  }
0x5b: {  	_ =	shalt  }
0x5c: {  	_ =	shalt  }
0x5d: {  	_ =	shalt  }
0x5e: {  	_ =	shalt  }
0x5f: {  	_ =	shalt  }
0x60: {  	_ =	shalt  }
0x61: {  	_ =	shalt  }
0x62: {  	_ =	shalt  }
0x63: {  	_ =	shalt  }
0x64: {  	_ =	shalt  }
0x65: {  	_ =	shalt  }
0x66: {  	_ =	shalt  }
0x67: {  	_ =	shalt  }
0x68: {  	_ =	shalt  }
0x69: {  	_ =	shalt  }
0x6a: {  	_ =	shalt  }
0x6b: {  	_ =	shalt  }
0x6c: {  	_ =	shalt  }
0x6d: {  	_ =	shalt  }
0x6e: {  	_ =	shalt  }
0x6f: {  	_ =	shalt  }
0x70: {  	_ =	shalt  }
0x71: {  	_ =	shalt  }
0x72: {  	_ =	shalt  }
0x73: {  	_ =	shalt  }
0x74: {  	_ =	shalt  }
0x75: {  	_ =	shalt  }
0x76: {  	_ =	shalt  }
0x77: {  	_ =	shalt  }
0x78: {  	_ =	shalt  }
0x79: {  	_ =	shalt  }
0x7a: {  	_ =	shalt  }
0x7b: {  	_ =	shalt  }
0x7c: {  	_ =	shalt  }
0x7d: {  	_ =	shalt  }
0x7e: {  	_ =	shalt  }
0x7f: {  	_ =	shalt  }
0x80: {  	_ =	shalt  }
0x81: {  	_ =	shalt  }
0x82: {  	_ =	shalt  }
0x83: {  	_ =	shalt  }
0x84: {  	_ =	shalt  }
0x85: {  	_ =	shalt  }
0x86: {  	_ =	shalt  }
0x87: {  	_ =	shalt  }
.Lfunc_end0:
.L_simem_size_0:
called_computation_lowered:
.L_overlay_start_0:
0x88: {  	s2 =	sld [smem:$0x3FD9]  }
0x89: {  	s3 =	sld [smem:$0x3FFE];
	_ =	sdelay $0x1  }
0x8a: {  	s1 =	srdreg.scid  }
0x8b: {  	s0 =	sand.u32 $0x1, s1  }
0x8c: {  	s16 =	sshll.u32 s0, $0xA;
	s2 =	sadd.s32 s3, s2  }
0x8d: {  	s2 =	sadd.s32 s2, s16  }
0x8e: {  	[smem:$0x3FBF] =	sst s2  }
0x8f: {  	_ = 	snop  }
0x90: {  	(tm) =	ssettm $0x1  }
0x91: {  	s17 =	sld [smem:$0x3FFB];
	_ =	sdelay $0x3  }
0x92: {  	_ =	strace s17  }
0x93: {  	s2 =	sld [smem:$0x3FFC];
	_ =	sdelay $0x3  }
0x94: {  	_ =	strace s2  }
0x95: {  	s2 =	sld [smem:$0x3FFD];
	_ =	sdelay $0x3  }
0x96: {  	_ =	strace s2  }
0x97: {  	_ =	strace $0x8FFFFFFF  }
0x98: {  	s18 =	sld [smem:$0x3FDB];
	_ =	sdelay $0x1  }
0x99: {  	s19 =	simm.s32 $_scs_section_size  }
0x9a: {  	s4 =	simm.s32 $_size__tile_overlayer_lowered;
	s5 =	simm.s32 $_tile_overlayer_lowered  }
0x9b: {  	s22 =	simm.s32 $0x1BFF;
	s21 =	sshll.u32 s5, $0x1;
	s2 =	sadd.s32 s19, s18  }
0x9c: {  	s6 =	simm.s32 $0x0;
	s20 =	sshll.u32 s4, $0x1;
	s4 =	sadd.s32 s21, s2  }
0x9d: {  	[timem:s6], [sflag:s22] =	dma.local [hbm:s4], s20  }
0x9e: {  	_ =	swait.ge [sflag:s22], s20  }
0x9f: {  	s3 =	ssub.s32 $0x0, s20;
	[sflag:s22] =	ssyncset.done $0x0  }
0xa0: {  	[sflag:s22] =	ssyncadd.s32 s3;
	_ =	sdelay $0x1  }
0xa1: {  	s23 =	simm.s32 $0x1B8B  }
0xa2: {  	_ =	swait.ge [sflag:s23], $0x1  }
0xa3: {  	[sflag:s23] =	ssyncset.done $0x0  }
0xa4: {  	s25 =	simm.s32 $0x1B8E;
	s24 =	sld [smem:$0x3FFE];
	[sflag:s23] =	ssyncadd.s32 $0xFFFFFFFF  }
0xa5: {  	s26 =	simm.s32 $execute0_lowered;
	[smem:$0x3FD2] =	sst s25  }
0xa6: {  	s4 =	sshll.u32 s26, $0x1;
	_ =	strace $0x80000046;
	[dreg:$0x1] =	wrdreg $0xFFFFFFFF  }
0xa7: {  	s28 =	simm.s32 $_size_execute0_lowered;
	s2 =	sadd.s32 s2, s4;
	[dreg:$0x0] =	wrdreg $0x0  }
0xa8: {  	s4 =	sshll.u32 s28, $0x1;
	[dreg:$0x2] =	wrdreg s2  }
0xa9: {  	[dreg:$0x3] =	wrdreg s4  }
0xaa: {  	[dreg:$0x4] =	wrdreg $0xC0  }
0xab: {  	_ =	task [dreg:s6], $0x5FFFF  }
0xac: {  	[dreg:$0x1] =	wrdreg $0xFFFFFFFF  }
0xad: {  	[dreg:$0x0] =	wrdreg $0x60  }
0xae: {  	[dreg:$0x2] =	wrdreg s24  }
0xaf: {  	[dreg:$0x3] =	wrdreg $0x68000  }
0xb0: {  	[dreg:$0x4] =	wrdreg $0x9  }
0xb1: {  	_ =	task.clear_ibuf [dreg:s6], $0x5FFFF;
	_ =	strace $0x90000046  }
0xb2: {  	s29 =	simm.s32 $0x9;
	_ =	strace $0x80000048  }
0xb3: {  	_ =	swait.ge [sflag:s29], $0x1  }
0xb4: {  	[sflag:s29] =	ssyncadd.s32 $0xFFFFFFFF  }
0xb5: {  	_ =	strace $0x90000048  }
0xb6: {  	_ =	sfence  }
0xb7: {  	s30 =	sld [smem:$0x0];
	_ =	sdelay $0x2  }
0xb8: {  	s31 =	sshll.u32 s1, $0xD;
	s1 =	sshrl.u32 s1, $0x2  }
0xb9: {  	s3 =	sand.u32 $0x4000, s31;
	s1 =	sadd.s32 s1, s30  }
0xba: {  	s0 =	sor.u32 s3, s0;
	s1 =	sshll.u32 s1, $0x11  }
0xbb: {  	s0 =	sor.u32 s1, s0  }
0xbc: {  	s0 =	sadd.s32 $0x8F2B, s0  }
0xbd: {  	[sflag:s0] =	ssyncadd.remote.s32 $0x1  }
0xbe: {  	_ =	sfence.sel $0xFFFF  }
0xbf: {  	[dreg:$0x0] =	wrdreg $0xFFFFFFFF;
	(pc) =	sbr.abs _section_cstart, $3  }
0xc0: {  	[dreg:$0x1] =	wrdreg $0xFFFFFFFF  }
0xc1: {  	_ =	task.clear_ibuf [dreg:s6], $0x2FFFF;
	_ =	strace $0x9FFFFFFF  }
0xc2: {  	(tm) =	ssettm $0x7FFFFFFF  }
0xc3: {  	_ =	shalt  }
tec
execute0_lowered:
.L_overlay_start_1:
0x0: {  	(tag) =	ssettag $0x1  }
0x1: {  	s1 =	srdreg.scid  }
0x2: {  	s0 =	stileid.u32;
	s7 =	rddreg [dreg:$0x0]  }
0x3: {  	s2 =	rddreg [dreg:$0x1];
	s3 =	simm.s32 $0x0;
	s12 =	simm.s32 $0x2800  }
0x4: {  	s13 =	simm.s32 $0x80;
	s14 =	simm.s32 $0x0;
	s8 =	smul.u32 $0x14000, s0  }
0x5: {  	s6 =	sand.u32 $0x1, s1;
	s29 =	sshll.u32 s0, $0x1;
	s10 =	smul.u32 $0x50000, s0  }
0x6: {  	[smem:$0x7FF] =	sst s3;
	s1 =	sor.u32 s6, s29;
	s5 =	smul.u32 $0x140000, s6  }
0x7: {  	s31 =	sshll.u32 s0, $0x6;
	s6 =	ssub.s32 $0x2, s6;
	s4 =	smul.u32 $0x500, s1  }
0x8: {  	s1 =	rddreg [dreg:$0x2];
	_ =	strace $0x80000047;
	s30 =	sshrl.u32 s6, $0x1  }
0x9: {  	s10 =	sshrl.u32 s10, $0x2;
	s8 =	sadd.s32 s8, s5;
	s5 =	sadd.s32 $0xCC00, s7  }
0xa: {  	s11 =	ssub.s32 s6, s30;
	s10 =	sadd.s32 s10, s2;
	s6 =	sor.u32 $0x1C01, s31  }
0xb: {  	s9 =	sadd.s32 s4, s7;
	s4 =	sadd.s32 $0xF400, s7;
	s8 =	sshrl.u32 s8, $0x3  }
0xc: {  	s10 =	sshrl.u32 s10, $0x3;
	s8 =	sadd.s32 s8, s7;
	s7 =	sadd.s32 $0x2C00, s9  }
0xd: {  	s9 =	smax.u32 s11, $0x1;
	s11 =	simm.s32 $0x1;
	s8 =	sadd.s32 $0xFC00, s8  }
.LBB2_1:
0xe: {  	[spmem:s10], [sflag:s6] =	dma.local [hbm:s5], $0x2800  }
0xf: {  	_ =	swait.ge [sflag:s11], $0x2800  }
0x10: {  	[sflag:s11] =	ssyncset.done $0x0  }
0x11: {  	[sflag:s11] =	ssyncadd.s32 $0xFFFFD800  }
0x12: {  	[tilespmem:s12], [sflag:$0x1] =	stream.linear.gather [hbm4b:s4+s3], $0x4000, $0x38;
	[tilespmem:$0x1A800] =	vst v63  }
0x13: {  	_ =	swait.ge [sflag:s11], $0x4000  }
0x14: {  	[sflag:s11] =	ssyncset.done $0x0  }
0x15: {  	[sflag:s11] =	ssyncadd.s32 $0xFFFFC000  }
0x16: {  	[tilespmem:s3], [sflag:$0x1] =	stream.linear.gather [hbm4b:s7+s3], $0x2800, $0x38;
	[tilespmem:$0x1A800] =	vst v63  }
0x17: {  	_ =	swait.ge [sflag:s11], $0x2800  }
0x18: {  	[sflag:s11] =	ssyncset.done $0x0  }
0x19: {  	[sflag:s11] =	ssyncadd.s32 $0xFFFFD800  }
0x1a: {  	s15 =	simm.s32 $0x0;
	[bflag:$0x0] =	sbarrier.arrive $0xFFFF  }
0x1b: {  	[spmem:s2] =	stream.indirect.scatter.add.f32 [tilespmem:s12], [sflag:$0x1], $0x80, s15, s13, $0xb8;
	[tilespmem:$0x1A800] =	vst v63  }
0x1c: {  	_ =	swait.ge [sflag:s11], $0x4000  }
0x1d: {  	s15 =	simm.s32 $0x200;
	[sflag:s11] =	ssyncset.done $0x0  }
.LBB2_2:
0x1e: {  	s16 =	sshra.s32 s15, $0x2;
	[sflag:s11] =	ssyncadd.s32 $0xFFFFC000;
	p0 =	sne.s32 s15, $0x9E00  }
0x1f: {  	[spmem:s2] =	stream.indirect.scatter.add.f32 [tilespmem:s12], [sflag:$0x1], $0x80, s16, s13, $0xb8;
	[tilespmem:$0x1A800] =	vst v63  }
.Ltmp0:
0x20: {  	_ = 	snop;
	(pc) =	sbr.rel @p0 .LBB2_2-.Ltmp0, $4  }
0x21: {  	_ = 	snop  }
0x22: {  	s15 =	sadd.s32 $0x200, s15  }
0x23: {  	_ =	swait.ge [sflag:s11], $0x4000  }
0x24: {  	[sflag:s11] =	ssyncset.done $0x0  }
0x25: {  	s14 =	sadd.s32 $0x1, s14  }
0x26: {  	[sflag:s11] =	ssyncadd.s32 $0xFFFFC000;
	p0 =	sne.s32 s14, s9  }
.Ltmp1:
0x27: {  	[bflag:$0x0] =	sbarrier.arrive $0xFFFF;
	(pc) =	sbr.rel @p0 .LBB2_1-.Ltmp1, $4  }
0x28: {  	[hbm:s8], [sflag:s6] =	dma.local [spmem:s10], $0x2800  }
0x29: {  	_ =	swait.ge [sflag:s11], $0x2800  }
0x2a: {  	[sflag:s11] =	ssyncset.done $0x0  }
0x2b: {  	[sflag:s11] =	ssyncadd.s32 $0xFFFFD800  }
0x2c: {  	_ =	sfence.sel $0x180000  }
0x2d: {  	[bflag:$0x0] =	sbarrier.arrive $0xFFFF  }
0x2e: {  	p0 =	sne.s32 s0, $0x0;
	_ =	strace $0x90000047  }
0x2f: {  	s0 =	sadd.s32 @!p0 $0x100000, s1;
	[bflag:$0x2] =	sbarrier.arrive $0xFFFF  }
0x30: {  	[sflag:s0] =	ssyncadd.tile.s32 @!p0 $0x1;
	_ =	shalt  }
.Lfunc_end2:
_tile_overlayer_lowered:
.L_overlay_start_2:
0x31: {  	(tag) =	ssettag $0x2  }
0x32: {  	s0 =	rddreg [dreg:$0x0];
	s2 =	stileid.u32  }
0x33: {  	s1 =	rddreg [dreg:$0x1];
	p0 =	sne.s32 s2, $0x0  }
0x34: {  	s3 =	rddreg [dreg:$0x2];
	[bflag:$0x3] =	sbarrier.arrive $0xFFFF;
	s2 =	simm.s32 @!p0 $0x1C01  }
0x35: {  	[timem:s3], [sflag:s2] =	dma.local @!p0 [hbm:s0], s1  }
0x36: {  	s0 =	simm.s32 @!p0 $0x1  }
0x37: {  	_ =	swait.ge @!p0 [sflag:s0], s1  }
0x38: {  	s1 =	ssub.s32 @!p0 $0x0, s1;
	[sflag:s0] =	ssyncset.done @!p0 $0x0  }
0x39: {  	[sflag:s0] =	ssyncadd.s32 @!p0 s1  }
0x3a: {  	[bflag:$0x3] =	sbarrier.arrive $0xFFFF  }
0x3b: {  	_ =	shalt  }

// kernel: kernel.13.cloned.1.call-start
scs
__scs_entry_jumppad:
0x0: {  	(pc) =	sbr.rel $0x88, $3  }
0x1: {  	(tag) =	ssettag $0x0;
	lr =	simm.s32 $0x1  }
0x2: {  	[smem:$0x3F98] =	sst lr;
	_ =	strace $0xD0000000  }
0x3: {  	_ = 	snop  }
0x4: {  	_ = 	snop  }
0x5: {  	_ = 	snop  }
0x6: {  	_ = 	snop  }
0x7: {  	_ = 	snop  }
__scs_overlays_trampoline_lowered:
0x8: {  	[smem:$0x3FA7] =	sst s0  }
0x9: {  	[smem:$0x3FA8] =	sst s1  }
0xa: {  	[smem:$0x3FA9] =	sst s2  }
0xb: {  	[smem:$0x3FAA] =	sst s3  }
0xc: {  	[smem:$0x3FAB] =	sst s4  }
0xd: {  	[smem:$0x3FAC] =	sst s5  }
0xe: {  	[smem:$0x3FAD] =	sst s6  }
0xf: {  	[smem:$0x3FAE] =	sst s7  }
0x10: {  	[smem:$0x3FAF] =	sst s8  }
0x11: {  	[smem:$0x3FB0] =	sst s9;
	s0 =	simm.s32 @!p0 $0x0  }
0x12: {  	s1 =	sld [smem:$0x3F96];
	s0 =	simm.s32 @p0 $0x1  }
0x13: {  	[smem:$0x3FB1] =	sst s0;
	s0 =	simm.s32 @!p1 $0x0  }
0x14: {  	s2 =	sld [smem:$0x3F95];
	s0 =	simm.s32 @p1 $0x1  }
0x15: {  	[smem:$0x3FB2] =	sst s0;
	s0 =	simm.s32 @!p2 $0x0  }
0x16: {  	s3 =	sld [smem:$0x3FDB];
	s0 =	simm.s32 @p2 $0x1  }
0x17: {  	s4 =	simm.s32 $0x1BF5;
	[smem:$0x3FB4] =	sst s0  }
0x18: {  	s0 =	sld [smem:$0x3F97];
	_ =	swait.ge [sflag:s4], $0x0  }
0x19: {  	s7 =	sld [smem:$0x3F98]  }
0x1a: {  	s8 =	sadd.s32 $0xFFFFE003, lr  }
0x1b: {  	s9 =	sadd.s32 $0xFFFFFEF7, lr;
	s5 =	simm.s32 $0xFFFFFFFF;
	p2 =	slt.u32 s8, $0xFFFFF086  }
0x1c: {  	p1 =	slt.u32 s9, $0xF7A;
	s5 =	simm.s32 @!p2 $0x0  }
0x1d: {  	s5 =	simm.s32 @p1 $0x1;
	p0 =	seq.s32 s7, s2  }
0x1e: {  	s7 =	smul.u32 @!p0 $0xF7A, s2;
	p2 =	seq.s32 @!p0 s5, $0x0  }
0x1f: {  	s9 =	smul.u32 $0xF7A, s1;
	s8 =	simm.s32 @!p0 $0x1BF5;
	p2 =	por !p2, p0  }
0x20: {  	[sflag:s8] =	ssyncset.s32 @!p0 $0xFFFFF086;
	s6 =	sadd.s32 @!p0 s3, s7;
	s7 =	simm.s32 @!p0 $0x108  }
0x21: {  	s3 =	sadd.s32 s3, s9;
	s6 =	sadd.s32 @!p0 $0x88, s6;
	s7 =	simm.s32 @p2 $0x1082  }
0x22: {  	[simem:s7], [sflag:s8] =	dma.local @!p0 [hbm:s6], $0xF7A  }
0x23: {  	s9 =	sor.u32 $0xD0000000, s2;
	s6 =	simm.s32 $0x108;
	_ =	swait.ge @!p0 [sflag:s8], $0x0  }
0x24: {  	s3 =	sadd.s32 $0x88, s3;
	s6 =	simm.s32 @!p1 $0x1082;
	[sflag:s4] =	ssyncset.s32 $0xFFFFF086  }
0x25: {  	[simem:s6], [sflag:s4] =	dma.local [hbm:s3], $0xF7A  }
0x26: {  	[smem:$0x3F98] =	sst s1;
	(tag) =	ssettag s2;
	_ =	strace s9  }
0x27: {  	s1 =	sld [smem:$0x3FA8]  }
0x28: {  	s2 =	sld [smem:$0x3FA9]  }
0x29: {  	s4 =	sld [smem:$0x3FAB]  }
0x2a: {  	p0 =	seq.s32 s5, $0x0;
	s5 =	sld [smem:$0x3FAC]  }
0x2b: {  	s6 =	sld [smem:$0x3FAD]  }
0x2c: {  	s7 =	sld [smem:$0x3FAE]  }
0x2d: {  	s3 =	simm.s32 $0x108;
	s8 =	sld [smem:$0x3FAF]  }
0x2e: {  	s3 =	simm.s32 @!p0 $0x1082;
	s9 =	sld [smem:$0x3FB0]  }
0x2f: {  	lr =	sadd.s32 s0, s3;
	s0 =	sld [smem:$0x3FA7]  }
0x30: {  	s3 =	sld [smem:$0x3FAA]  }
0x31: {  	[smem:$0x3FB3] =	sst s10  }
0x32: {  	s10 =	sld [smem:$0x3FB1];
	_ =	sdelay $0x3  }
0x33: {  	p0 =	seq.s32 s10, $0x1;
	s10 =	sld [smem:$0x3FB3];
	_ =	sdelay $0x3  }
0x34: {  	[smem:$0x3FB3] =	sst s10  }
0x35: {  	s10 =	sld [smem:$0x3FB2];
	_ =	sdelay $0x3  }
0x36: {  	p1 =	seq.s32 s10, $0x1;
	s10 =	sld [smem:$0x3FB3];
	_ =	sdelay $0x3  }
0x37: {  	[smem:$0x3FB3] =	sst s10  }
0x38: {  	s10 =	sld [smem:$0x3FB4]  }
0x39: {  	_ = 	snop;
	(pc) =	sbr.ind lr, $3  }
0x3a: {  	_ = 	snop  }
0x3b: {  	_ = 	snop  }
0x3c: {  	p2 =	seq.s32 s10, $0x1;
	s10 =	sld [smem:$0x3FB3]  }
0x3d: {  	_ =	shalt  }
0x3e: {  	_ =	shalt  }
0x3f: {  	_ =	shalt  }
0x40: {  	_ =	shalt  }
0x41: {  	_ =	shalt  }
0x42: {  	_ =	shalt  }
0x43: {  	_ =	shalt  }
0x44: {  	_ =	shalt  }
0x45: {  	_ =	shalt  }
0x46: {  	_ =	shalt  }
0x47: {  	_ =	shalt  }
0x48: {  	_ =	shalt  }
0x49: {  	_ =	shalt  }
0x4a: {  	_ =	shalt  }
0x4b: {  	_ =	shalt  }
0x4c: {  	_ =	shalt  }
0x4d: {  	_ =	shalt  }
0x4e: {  	_ =	shalt  }
0x4f: {  	_ =	shalt  }
0x50: {  	_ =	shalt  }
0x51: {  	_ =	shalt  }
0x52: {  	_ =	shalt  }
0x53: {  	_ =	shalt  }
0x54: {  	_ =	shalt  }
0x55: {  	_ =	shalt  }
0x56: {  	_ =	shalt  }
0x57: {  	_ =	shalt  }
0x58: {  	_ =	shalt  }
0x59: {  	_ =	shalt  }
0x5a: {  	_ =	shalt  }
0x5b: {  	_ =	shalt  }
0x5c: {  	_ =	shalt  }
0x5d: {  	_ =	shalt  }
0x5e: {  	_ =	shalt  }
0x5f: {  	_ =	shalt  }
0x60: {  	_ =	shalt  }
0x61: {  	_ =	shalt  }
0x62: {  	_ =	shalt  }
0x63: {  	_ =	shalt  }
0x64: {  	_ =	shalt  }
0x65: {  	_ =	shalt  }
0x66: {  	_ =	shalt  }
0x67: {  	_ =	shalt  }
0x68: {  	_ =	shalt  }
0x69: {  	_ =	shalt  }
0x6a: {  	_ =	shalt  }
0x6b: {  	_ =	shalt  }
0x6c: {  	_ =	shalt  }
0x6d: {  	_ =	shalt  }
0x6e: {  	_ =	shalt  }
0x6f: {  	_ =	shalt  }
0x70: {  	_ =	shalt  }
0x71: {  	_ =	shalt  }
0x72: {  	_ =	shalt  }
0x73: {  	_ =	shalt  }
0x74: {  	_ =	shalt  }
0x75: {  	_ =	shalt  }
0x76: {  	_ =	shalt  }
0x77: {  	_ =	shalt  }
0x78: {  	_ =	shalt  }
0x79: {  	_ =	shalt  }
0x7a: {  	_ =	shalt  }
0x7b: {  	_ =	shalt  }
0x7c: {  	_ =	shalt  }
0x7d: {  	_ =	shalt  }
0x7e: {  	_ =	shalt  }
0x7f: {  	_ =	shalt  }
0x80: {  	_ =	shalt  }
0x81: {  	_ =	shalt  }
0x82: {  	_ =	shalt  }
0x83: {  	_ =	shalt  }
0x84: {  	_ =	shalt  }
0x85: {  	_ =	shalt  }
0x86: {  	_ =	shalt  }
0x87: {  	_ =	shalt  }
.Lfunc_end0:
.L_simem_size_0:
called_computation.1_lowered:
.L_overlay_start_0:
0x88: {  	s2 =	sld [smem:$0x3FD9]  }
0x89: {  	s3 =	sld [smem:$0x3FFE];
	_ =	sdelay $0x1  }
0x8a: {  	s1 =	srdreg.scid  }
0x8b: {  	s0 =	sand.u32 $0x1, s1  }
0x8c: {  	s16 =	sshll.u32 s0, $0xA;
	s2 =	sadd.s32 s3, s2  }
0x8d: {  	s2 =	sadd.s32 s2, s16  }
0x8e: {  	[smem:$0x3FBF] =	sst s2  }
0x8f: {  	_ = 	snop  }
0x90: {  	(tm) =	ssettm $0x1  }
0x91: {  	s17 =	sld [smem:$0x3FFB];
	_ =	sdelay $0x3  }
0x92: {  	_ =	strace s17  }
0x93: {  	s2 =	sld [smem:$0x3FFC];
	_ =	sdelay $0x3  }
0x94: {  	_ =	strace s2  }
0x95: {  	s2 =	sld [smem:$0x3FFD];
	_ =	sdelay $0x3  }
0x96: {  	_ =	strace s2  }
0x97: {  	_ =	strace $0x8FFFFFFF  }
0x98: {  	s18 =	sld [smem:$0x3FDB];
	_ =	sdelay $0x1  }
0x99: {  	s19 =	simm.s32 $_scs_section_size  }
0x9a: {  	s4 =	simm.s32 $_size__tile_overlayer_lowered;
	s5 =	simm.s32 $_tile_overlayer_lowered  }
0x9b: {  	s22 =	simm.s32 $0x1BFF;
	s21 =	sshll.u32 s5, $0x1;
	s2 =	sadd.s32 s19, s18  }
0x9c: {  	s6 =	simm.s32 $0x0;
	s20 =	sshll.u32 s4, $0x1;
	s4 =	sadd.s32 s21, s2  }
0x9d: {  	[timem:s6], [sflag:s22] =	dma.local [hbm:s4], s20  }
0x9e: {  	_ =	swait.ge [sflag:s22], s20  }
0x9f: {  	s3 =	ssub.s32 $0x0, s20;
	[sflag:s22] =	ssyncset.done $0x0  }
0xa0: {  	[sflag:s22] =	ssyncadd.s32 s3;
	_ =	sdelay $0x1  }
0xa1: {  	s23 =	simm.s32 $0x1B8B  }
0xa2: {  	_ =	swait.ge [sflag:s23], $0x1  }
0xa3: {  	[sflag:s23] =	ssyncset.done $0x0  }
0xa4: {  	s25 =	simm.s32 $0x1B8E;
	s24 =	sld [smem:$0x3FFE];
	[sflag:s23] =	ssyncadd.s32 $0xFFFFFFFF  }
0xa5: {  	s26 =	simm.s32 $execute0_lowered;
	[smem:$0x3FD2] =	sst s25  }
0xa6: {  	s4 =	sshll.u32 s26, $0x1;
	_ =	strace $0x80000049;
	[dreg:$0x1] =	wrdreg $0xFFFFFFFF  }
0xa7: {  	s28 =	simm.s32 $_size_execute0_lowered;
	s2 =	sadd.s32 s2, s4;
	[dreg:$0x0] =	wrdreg $0x0  }
0xa8: {  	s4 =	sshll.u32 s28, $0x1;
	[dreg:$0x2] =	wrdreg s2  }
0xa9: {  	[dreg:$0x3] =	wrdreg s4  }
0xaa: {  	[dreg:$0x4] =	wrdreg $0xC0  }
0xab: {  	_ =	task [dreg:s6], $0x5FFFF  }
0xac: {  	[dreg:$0x1] =	wrdreg $0xFFFFFFFF  }
0xad: {  	[dreg:$0x0] =	wrdreg $0x60  }
0xae: {  	[dreg:$0x2] =	wrdreg s24  }
0xaf: {  	[dreg:$0x3] =	wrdreg $0x9E000  }
0xb0: {  	[dreg:$0x4] =	wrdreg $0x9  }
0xb1: {  	_ =	task.clear_ibuf [dreg:s6], $0x5FFFF;
	_ =	strace $0x90000049  }
0xb2: {  	s29 =	simm.s32 $0x9;
	_ =	strace $0x8000004B  }
0xb3: {  	_ =	swait.ge [sflag:s29], $0x1  }
0xb4: {  	[sflag:s29] =	ssyncadd.s32 $0xFFFFFFFF  }
0xb5: {  	_ =	strace $0x9000004B  }
0xb6: {  	_ =	sfence  }
0xb7: {  	s30 =	sld [smem:$0x0];
	_ =	sdelay $0x2  }
0xb8: {  	s31 =	sshll.u32 s1, $0xD;
	s1 =	sshrl.u32 s1, $0x2  }
0xb9: {  	s3 =	sand.u32 $0x4000, s31;
	s1 =	sadd.s32 s1, s30  }
0xba: {  	s0 =	sor.u32 s3, s0;
	s1 =	sshll.u32 s1, $0x11  }
0xbb: {  	s0 =	sor.u32 s1, s0  }
0xbc: {  	s0 =	sadd.s32 $0x8F2B, s0  }
0xbd: {  	[sflag:s0] =	ssyncadd.remote.s32 $0x1  }
0xbe: {  	_ =	sfence.sel $0xFFFF  }
0xbf: {  	[dreg:$0x0] =	wrdreg $0xFFFFFFFF;
	(pc) =	sbr.abs _section_cstart, $3  }
0xc0: {  	[dreg:$0x1] =	wrdreg $0xFFFFFFFF  }
0xc1: {  	_ =	task.clear_ibuf [dreg:s6], $0x2FFFF;
	_ =	strace $0x9FFFFFFF  }
0xc2: {  	(tm) =	ssettm $0x7FFFFFFF  }
0xc3: {  	_ =	shalt  }
tec
execute0_lowered:
.L_overlay_start_1:
0x0: {  	(tag) =	ssettag $0x1  }
0x1: {  	s6 =	rddreg [dreg:$0x0]  }
0x2: {  	s2 =	rddreg [dreg:$0x1]  }
0x3: {  	s0 =	rddreg [dreg:$0x2];
	s1 =	stileid.u32  }
0x4: {  	s4 =	srdreg.scid;
	s5 =	smul.u32 $0x3F00, s1  }
0x5: {  	s3 =	simm.s32 $0x0;
	s7 =	sand.u32 $0x1, s4;
	s4 =	smul.u32 $0x5E00, s1  }
0x6: {  	s14 =	simm.s32 $0x5E00;
	s15 =	simm.s32 $0x1;
	s9 =	smul.u32 $0x14000, s1  }
0x7: {  	s16 =	simm.s32 $0x0;
	[smem:$0x7FF] =	sst s3;
	s11 =	smul.u32 $0x50000, s1  }
0x8: {  	s31 =	sshll.u32 s1, $0x6;
	p0 =	seq.s32 s7, $0x0;
	s8 =	smul.u32 $0x140000, s7  }
0x9: {  	_ =	strace $0x8000004A;
	s7 =	ssub.s32 $0x2, s7;
	s5 =	sadd.s32 $0x5E000, s5  }
0xa: {  	s29 =	sshrl.u32 s7, $0x1;
	s30 =	sshrl.u32 s11, $0x2;
	s5 =	smov.u32 @p0 s4  }
0xb: {  	s4 =	sadd.s32 $0x73A00, s6;
	s28 =	sadd.s32 s9, s8;
	s13 =	ssub.s32 s7, s29  }
0xc: {  	s11 =	sadd.s32 s30, s2;
	s7 =	sor.u32 $0x1C02, s31;
	s5 =	sshrl.u32 s5, $0x3  }
0xd: {  	s8 =	sshrl.u32 s28, $0x3;
	s11 =	sshrl.u32 s11, $0x3;
	s10 =	sadd.s32 s5, s6  }
0xe: {  	s5 =	sadd.s32 $0xCC00, s6;
	s12 =	sadd.s32 s8, s6;
	s6 =	simm.s32 $0x5E  }
0xf: {  	s6 =	simm.s32 @!p0 $0x3F;
	s8 =	sadd.s32 $0x5FC00, s10;
	s9 =	sadd.s32 $0x9BA00, s12  }
0x10: {  	s10 =	smax.u32 s13, $0x1;
	s12 =	simm.s32 $0x2;
	s13 =	simm.s32 $0x80  }
.LBB2_1:
0x11: {  	[spmem:s11], [sflag:s7] =	dma.local [hbm:s5], $0x2800  }
0x12: {  	_ =	swait.ge [sflag:s12], $0x2800  }
0x13: {  	[sflag:s12] =	ssyncset.done $0x0  }
0x14: {  	[sflag:s12] =	ssyncadd.s32 $0xFFFFD800  }
0x15: {  	[tilespmem:s3], [sflag:$0x2] =	stream.linear.gather [hbm4b:s8+s3], $0x5E00, $0x38;
	[tilespmem:$0x1DE00] =	vst v63  }
0x16: {  	_ =	swait.ge [sflag:s12], $0x5E00  }
0x17: {  	[sflag:s12] =	ssyncset.done $0x0  }
0x18: {  	[sflag:s12] =	ssyncadd.s32 $0xFFFFA200  }
0x19: {  	[bflag:$0x0] =	sbarrier.arrive $0xFFFF  }
0x1a: {  	[tilespmem:s14], [sflag:$0x1] =	stream.indirect.gather [hbm4b:s4+s13], $0x80, s3, s13, $0xb8;
	[tilespmem:$0x1DE00] =	vst v63  }
0x1b: {  	p0 =	sne.s32 s6, $0x1;
	_ =	swait.ge [sflag:s15], $0x4000  }
.Ltmp0:
0x1c: {  	[sflag:s15] =	ssyncset.done $0x0;
	(pc) =	sbr.rel @!p0 .LBB2_3-.Ltmp0, $4  }
0x1d: {  	s17 =	simm.s32 $0x80;
	[sflag:s15] =	ssyncadd.s32 $0xFFFFC000  }
0x1e: {  	[spmem:s2] =	stream.indirect.scatter.add.f32 [tilespmem:s14], [sflag:$0x2], $0x80, s17, s13, $0xb8;
	[tilespmem:$0x1DE00] =	vst v63  }
0x1f: {  	_ =	swait.ge [sflag:s12], $0x4000  }
0x20: {  	s18 =	simm.s32 $0x0;
	s17 =	sadd.s32 $0xFFFFFFFF, s6;
	[sflag:s12] =	ssyncset.done $0x0  }
.LBB2_2:
0x21: {  	p0 =	sne.s32 s17, $0x1;
	[sflag:s12] =	ssyncadd.s32 $0xFFFFC000;
	s18 =	sadd.s32 $0x100, s18  }
0x22: {  	[tilespmem:s14], [sflag:$0x1] =	stream.indirect.gather [hbm4b:s4+s13], $0x80, s18, s13, $0xb8;
	[tilespmem:$0x1DE00] =	vst v63  }
0x23: {  	s17 =	sadd.s32 $0xFFFFFFFF, s17;
	_ =	swait.ge [sflag:s15], $0x4000  }
.Ltmp1:
0x24: {  	[sflag:s15] =	ssyncset.done $0x0;
	(pc) =	sbr.rel @p0 .LBB2_2-.Ltmp1, $4  }
0x25: {  	s19 =	sadd.s32 $0x80, s18;
	[sflag:s15] =	ssyncadd.s32 $0xFFFFC000  }
0x26: {  	[spmem:s2] =	stream.indirect.scatter.add.f32 [tilespmem:s14], [sflag:$0x2], $0x80, s19, s13, $0xb8;
	[tilespmem:$0x1DE00] =	vst v63  }
0x27: {  	_ =	swait.ge [sflag:s12], $0x4000  }
0x28: {  	[sflag:s12] =	ssyncset.done $0x0  }
.LBB2_3:
0x29: {  	s16 =	sadd.s32 $0x1, s16  }
0x2a: {  	[sflag:s12] =	ssyncadd.s32 $0xFFFFC000;
	p0 =	sne.s32 s16, s10  }
.Ltmp2:
0x2b: {  	[bflag:$0x0] =	sbarrier.arrive $0xFFFF;
	(pc) =	sbr.rel @p0 .LBB2_1-.Ltmp2, $4  }
0x2c: {  	[hbm:s9], [sflag:s7] =	dma.local [spmem:s11], $0x2800  }
0x2d: {  	_ =	swait.ge [sflag:s12], $0x2800  }
0x2e: {  	[sflag:s12] =	ssyncset.done $0x0  }
0x2f: {  	[sflag:s12] =	ssyncadd.s32 $0xFFFFD800  }
0x30: {  	_ =	sfence.sel $0x180000  }
0x31: {  	[bflag:$0x0] =	sbarrier.arrive $0xFFFF  }
0x32: {  	p0 =	sne.s32 s1, $0x0;
	_ =	strace $0x9000004A  }
0x33: {  	s0 =	sadd.s32 @!p0 $0x100000, s0;
	[bflag:$0x2] =	sbarrier.arrive $0xFFFF  }
0x34: {  	[sflag:s0] =	ssyncadd.tile.s32 @!p0 $0x1;
	_ =	shalt  }
.Lfunc_end2:
_tile_overlayer_lowered:
.L_overlay_start_2:
0x35: {  	(tag) =	ssettag $0x2  }
0x36: {  	s0 =	rddreg [dreg:$0x0];
	s2 =	stileid.u32  }
0x37: {  	s1 =	rddreg [dreg:$0x1];
	p0 =	sne.s32 s2, $0x0  }
0x38: {  	s3 =	rddreg [dreg:$0x2];
	[bflag:$0x3] =	sbarrier.arrive $0xFFFF;
	s2 =	simm.s32 @!p0 $0x1C02  }
0x39: {  	[timem:s3], [sflag:s2] =	dma.local @!p0 [hbm:s0], s1  }
0x3a: {  	s0 =	simm.s32 @!p0 $0x2  }
0x3b: {  	_ =	swait.ge @!p0 [sflag:s0], s1  }
0x3c: {  	s1 =	ssub.s32 @!p0 $0x0, s1;
	[sflag:s0] =	ssyncset.done @!p0 $0x0  }
0x3d: {  	[sflag:s0] =	ssyncadd.s32 @!p0 s1  }
0x3e: {  	[bflag:$0x3] =	sbarrier.arrive $0xFFFF  }
0x3f: {  	_ =	shalt  }

// kernel: kernel.16.cloned.1.call-start
scs
__scs_entry_jumppad:
0x0: {  	(pc) =	sbr.rel $0x88, $3  }
0x1: {  	(tag) =	ssettag $0x0;
	lr =	simm.s32 $0x1  }
0x2: {  	[smem:$0x3F98] =	sst lr;
	_ =	strace $0xD0000000  }
0x3: {  	_ = 	snop  }
0x4: {  	_ = 	snop  }
0x5: {  	_ = 	snop  }
0x6: {  	_ = 	snop  }
0x7: {  	_ = 	snop  }
__scs_overlays_trampoline_lowered:
0x8: {  	[smem:$0x3FA7] =	sst s0  }
0x9: {  	[smem:$0x3FA8] =	sst s1  }
0xa: {  	[smem:$0x3FA9] =	sst s2  }
0xb: {  	[smem:$0x3FAA] =	sst s3  }
0xc: {  	[smem:$0x3FAB] =	sst s4  }
0xd: {  	[smem:$0x3FAC] =	sst s5  }
0xe: {  	[smem:$0x3FAD] =	sst s6  }
0xf: {  	[smem:$0x3FAE] =	sst s7  }
0x10: {  	[smem:$0x3FAF] =	sst s8  }
0x11: {  	[smem:$0x3FB0] =	sst s9;
	s0 =	simm.s32 @!p0 $0x0  }
0x12: {  	s1 =	sld [smem:$0x3F96];
	s0 =	simm.s32 @p0 $0x1  }
0x13: {  	[smem:$0x3FB1] =	sst s0;
	s0 =	simm.s32 @!p1 $0x0  }
0x14: {  	s2 =	sld [smem:$0x3F95];
	s0 =	simm.s32 @p1 $0x1  }
0x15: {  	[smem:$0x3FB2] =	sst s0;
	s0 =	simm.s32 @!p2 $0x0  }
0x16: {  	s3 =	sld [smem:$0x3FDB];
	s0 =	simm.s32 @p2 $0x1  }
0x17: {  	s4 =	simm.s32 $0x1BF5;
	[smem:$0x3FB4] =	sst s0  }
0x18: {  	s0 =	sld [smem:$0x3F97];
	_ =	swait.ge [sflag:s4], $0x0  }
0x19: {  	s7 =	sld [smem:$0x3F98]  }
0x1a: {  	s8 =	sadd.s32 $0xFFFFE003, lr  }
0x1b: {  	s9 =	sadd.s32 $0xFFFFFEF7, lr;
	s5 =	simm.s32 $0xFFFFFFFF;
	p2 =	slt.u32 s8, $0xFFFFF086  }
0x1c: {  	p1 =	slt.u32 s9, $0xF7A;
	s5 =	simm.s32 @!p2 $0x0  }
0x1d: {  	s5 =	simm.s32 @p1 $0x1;
	p0 =	seq.s32 s7, s2  }
0x1e: {  	s7 =	smul.u32 @!p0 $0xF7A, s2;
	p2 =	seq.s32 @!p0 s5, $0x0  }
0x1f: {  	s9 =	smul.u32 $0xF7A, s1;
	s8 =	simm.s32 @!p0 $0x1BF5;
	p2 =	por !p2, p0  }
0x20: {  	[sflag:s8] =	ssyncset.s32 @!p0 $0xFFFFF086;
	s6 =	sadd.s32 @!p0 s3, s7;
	s7 =	simm.s32 @!p0 $0x108  }
0x21: {  	s3 =	sadd.s32 s3, s9;
	s6 =	sadd.s32 @!p0 $0x88, s6;
	s7 =	simm.s32 @p2 $0x1082  }
0x22: {  	[simem:s7], [sflag:s8] =	dma.local @!p0 [hbm:s6], $0xF7A  }
0x23: {  	s9 =	sor.u32 $0xD0000000, s2;
	s6 =	simm.s32 $0x108;
	_ =	swait.ge @!p0 [sflag:s8], $0x0  }
0x24: {  	s3 =	sadd.s32 $0x88, s3;
	s6 =	simm.s32 @!p1 $0x1082;
	[sflag:s4] =	ssyncset.s32 $0xFFFFF086  }
0x25: {  	[simem:s6], [sflag:s4] =	dma.local [hbm:s3], $0xF7A  }
0x26: {  	[smem:$0x3F98] =	sst s1;
	(tag) =	ssettag s2;
	_ =	strace s9  }
0x27: {  	s1 =	sld [smem:$0x3FA8]  }
0x28: {  	s2 =	sld [smem:$0x3FA9]  }
0x29: {  	s4 =	sld [smem:$0x3FAB]  }
0x2a: {  	p0 =	seq.s32 s5, $0x0;
	s5 =	sld [smem:$0x3FAC]  }
0x2b: {  	s6 =	sld [smem:$0x3FAD]  }
0x2c: {  	s7 =	sld [smem:$0x3FAE]  }
0x2d: {  	s3 =	simm.s32 $0x108;
	s8 =	sld [smem:$0x3FAF]  }
0x2e: {  	s3 =	simm.s32 @!p0 $0x1082;
	s9 =	sld [smem:$0x3FB0]  }
0x2f: {  	lr =	sadd.s32 s0, s3;
	s0 =	sld [smem:$0x3FA7]  }
0x30: {  	s3 =	sld [smem:$0x3FAA]  }
0x31: {  	[smem:$0x3FB3] =	sst s10  }
0x32: {  	s10 =	sld [smem:$0x3FB1];
	_ =	sdelay $0x3  }
0x33: {  	p0 =	seq.s32 s10, $0x1;
	s10 =	sld [smem:$0x3FB3];
	_ =	sdelay $0x3  }
0x34: {  	[smem:$0x3FB3] =	sst s10  }
0x35: {  	s10 =	sld [smem:$0x3FB2];
	_ =	sdelay $0x3  }
0x36: {  	p1 =	seq.s32 s10, $0x1;
	s10 =	sld [smem:$0x3FB3];
	_ =	sdelay $0x3  }
0x37: {  	[smem:$0x3FB3] =	sst s10  }
0x38: {  	s10 =	sld [smem:$0x3FB4]  }
0x39: {  	_ = 	snop;
	(pc) =	sbr.ind lr, $3  }
0x3a: {  	_ = 	snop  }
0x3b: {  	_ = 	snop  }
0x3c: {  	p2 =	seq.s32 s10, $0x1;
	s10 =	sld [smem:$0x3FB3]  }
0x3d: {  	_ =	shalt  }
0x3e: {  	_ =	shalt  }
0x3f: {  	_ =	shalt  }
0x40: {  	_ =	shalt  }
0x41: {  	_ =	shalt  }
0x42: {  	_ =	shalt  }
0x43: {  	_ =	shalt  }
0x44: {  	_ =	shalt  }
0x45: {  	_ =	shalt  }
0x46: {  	_ =	shalt  }
0x47: {  	_ =	shalt  }
0x48: {  	_ =	shalt  }
0x49: {  	_ =	shalt  }
0x4a: {  	_ =	shalt  }
0x4b: {  	_ =	shalt  }
0x4c: {  	_ =	shalt  }
0x4d: {  	_ =	shalt  }
0x4e: {  	_ =	shalt  }
0x4f: {  	_ =	shalt  }
0x50: {  	_ =	shalt  }
0x51: {  	_ =	shalt  }
0x52: {  	_ =	shalt  }
0x53: {  	_ =	shalt  }
0x54: {  	_ =	shalt  }
0x55: {  	_ =	shalt  }
0x56: {  	_ =	shalt  }
0x57: {  	_ =	shalt  }
0x58: {  	_ =	shalt  }
0x59: {  	_ =	shalt  }
0x5a: {  	_ =	shalt  }
0x5b: {  	_ =	shalt  }
0x5c: {  	_ =	shalt  }
0x5d: {  	_ =	shalt  }
0x5e: {  	_ =	shalt  }
0x5f: {  	_ =	shalt  }
0x60: {  	_ =	shalt  }
0x61: {  	_ =	shalt  }
0x62: {  	_ =	shalt  }
0x63: {  	_ =	shalt  }
0x64: {  	_ =	shalt  }
0x65: {  	_ =	shalt  }
0x66: {  	_ =	shalt  }
0x67: {  	_ =	shalt  }
0x68: {  	_ =	shalt  }
0x69: {  	_ =	shalt  }
0x6a: {  	_ =	shalt  }
0x6b: {  	_ =	shalt  }
0x6c: {  	_ =	shalt  }
0x6d: {  	_ =	shalt  }
0x6e: {  	_ =	shalt  }
0x6f: {  	_ =	shalt  }
0x70: {  	_ =	shalt  }
0x71: {  	_ =	shalt  }
0x72: {  	_ =	shalt  }
0x73: {  	_ =	shalt  }
0x74: {  	_ =	shalt  }
0x75: {  	_ =	shalt  }
0x76: {  	_ =	shalt  }
0x77: {  	_ =	shalt  }
0x78: {  	_ =	shalt  }
0x79: {  	_ =	shalt  }
0x7a: {  	_ =	shalt  }
0x7b: {  	_ =	shalt  }
0x7c: {  	_ =	shalt  }
0x7d: {  	_ =	shalt  }
0x7e: {  	_ =	shalt  }
0x7f: {  	_ =	shalt  }
0x80: {  	_ =	shalt  }
0x81: {  	_ =	shalt  }
0x82: {  	_ =	shalt  }
0x83: {  	_ =	shalt  }
0x84: {  	_ =	shalt  }
0x85: {  	_ =	shalt  }
0x86: {  	_ =	shalt  }
0x87: {  	_ =	shalt  }
.Lfunc_end0:
.L_simem_size_0:
called_computation.2_lowered:
.L_overlay_start_0:
0x88: {  	s2 =	sld [smem:$0x3FD9]  }
0x89: {  	s3 =	sld [smem:$0x3FFE];
	_ =	sdelay $0x1  }
0x8a: {  	s1 =	srdreg.scid  }
0x8b: {  	s0 =	sand.u32 $0x1, s1  }
0x8c: {  	s16 =	sshll.u32 s0, $0xA;
	s2 =	sadd.s32 s3, s2  }
0x8d: {  	s2 =	sadd.s32 s2, s16  }
0x8e: {  	[smem:$0x3FBF] =	sst s2  }
0x8f: {  	_ = 	snop  }
0x90: {  	(tm) =	ssettm $0x1  }
0x91: {  	s17 =	sld [smem:$0x3FFB];
	_ =	sdelay $0x3  }
0x92: {  	_ =	strace s17  }
0x93: {  	s2 =	sld [smem:$0x3FFC];
	_ =	sdelay $0x3  }
0x94: {  	_ =	strace s2  }
0x95: {  	s2 =	sld [smem:$0x3FFD];
	_ =	sdelay $0x3  }
0x96: {  	_ =	strace s2  }
0x97: {  	_ =	strace $0x8FFFFFFF  }
0x98: {  	s18 =	sld [smem:$0x3FDB];
	_ =	sdelay $0x1  }
0x99: {  	s19 =	simm.s32 $_scs_section_size  }
0x9a: {  	s4 =	simm.s32 $_size__tile_overlayer_lowered;
	s5 =	simm.s32 $_tile_overlayer_lowered  }
0x9b: {  	s22 =	simm.s32 $0x1BFF;
	s21 =	sshll.u32 s5, $0x1;
	s2 =	sadd.s32 s19, s18  }
0x9c: {  	s6 =	simm.s32 $0x0;
	s20 =	sshll.u32 s4, $0x1;
	s4 =	sadd.s32 s21, s2  }
0x9d: {  	[timem:s6], [sflag:s22] =	dma.local [hbm:s4], s20  }
0x9e: {  	_ =	swait.ge [sflag:s22], s20  }
0x9f: {  	s3 =	ssub.s32 $0x0, s20;
	[sflag:s22] =	ssyncset.done $0x0  }
0xa0: {  	[sflag:s22] =	ssyncadd.s32 s3;
	_ =	sdelay $0x1  }
0xa1: {  	s23 =	simm.s32 $0x1B8B  }
0xa2: {  	_ =	swait.ge [sflag:s23], $0x1  }
0xa3: {  	[sflag:s23] =	ssyncset.done $0x0  }
0xa4: {  	s25 =	simm.s32 $0x1B8E;
	s24 =	sld [smem:$0x3FFE];
	[sflag:s23] =	ssyncadd.s32 $0xFFFFFFFF  }
0xa5: {  	s26 =	simm.s32 $execute0_lowered;
	[smem:$0x3FD2] =	sst s25  }
0xa6: {  	s4 =	sshll.u32 s26, $0x1;
	_ =	strace $0x8000004C;
	[dreg:$0x1] =	wrdreg $0xFFFFFFFF  }
0xa7: {  	s28 =	simm.s32 $_size_execute0_lowered;
	s2 =	sadd.s32 s2, s4;
	[dreg:$0x0] =	wrdreg $0x0  }
0xa8: {  	s4 =	sshll.u32 s28, $0x1;
	[dreg:$0x2] =	wrdreg s2  }
0xa9: {  	[dreg:$0x3] =	wrdreg s4  }
0xaa: {  	[dreg:$0x4] =	wrdreg $0xC0  }
0xab: {  	_ =	task [dreg:s6], $0x5FFFF  }
0xac: {  	[dreg:$0x1] =	wrdreg $0xFFFFFFFF  }
0xad: {  	[dreg:$0x0] =	wrdreg $0x60  }
0xae: {  	[dreg:$0x2] =	wrdreg s24  }
0xaf: {  	[dreg:$0x3] =	wrdreg $0x9E000  }
0xb0: {  	[dreg:$0x4] =	wrdreg $0x9  }
0xb1: {  	_ =	task.clear_ibuf [dreg:s6], $0x5FFFF;
	_ =	strace $0x9000004C  }
0xb2: {  	s29 =	simm.s32 $0x9;
	_ =	strace $0x8000004E  }
0xb3: {  	_ =	swait.ge [sflag:s29], $0x1  }
0xb4: {  	[sflag:s29] =	ssyncadd.s32 $0xFFFFFFFF  }
0xb5: {  	_ =	strace $0x9000004E  }
0xb6: {  	_ =	sfence  }
0xb7: {  	s30 =	sld [smem:$0x0];
	_ =	sdelay $0x2  }
0xb8: {  	s31 =	sshll.u32 s1, $0xD;
	s1 =	sshrl.u32 s1, $0x2  }
0xb9: {  	s3 =	sand.u32 $0x4000, s31;
	s1 =	sadd.s32 s1, s30  }
0xba: {  	s0 =	sor.u32 s3, s0;
	s1 =	sshll.u32 s1, $0x11  }
0xbb: {  	s0 =	sor.u32 s1, s0  }
0xbc: {  	s0 =	sadd.s32 $0x8F2B, s0  }
0xbd: {  	[sflag:s0] =	ssyncadd.remote.s32 $0x1  }
0xbe: {  	_ =	sfence.sel $0xFFFF  }
0xbf: {  	[dreg:$0x0] =	wrdreg $0xFFFFFFFF;
	(pc) =	sbr.abs _section_cstart, $3  }
0xc0: {  	[dreg:$0x1] =	wrdreg $0xFFFFFFFF  }
0xc1: {  	_ =	task.clear_ibuf [dreg:s6], $0x2FFFF;
	_ =	strace $0x9FFFFFFF  }
0xc2: {  	(tm) =	ssettm $0x7FFFFFFF  }
0xc3: {  	_ =	shalt  }
tec
execute0_lowered:
.L_overlay_start_1:
0x0: {  	(tag) =	ssettag $0x1  }
0x1: {  	s6 =	rddreg [dreg:$0x0]  }
0x2: {  	s2 =	rddreg [dreg:$0x1]  }
0x3: {  	s0 =	rddreg [dreg:$0x2];
	s1 =	stileid.u32  }
0x4: {  	s4 =	srdreg.scid;
	s5 =	smul.u32 $0x3F00, s1  }
0x5: {  	s3 =	simm.s32 $0x0;
	s7 =	sand.u32 $0x1, s4;
	s4 =	smul.u32 $0x5E00, s1  }
0x6: {  	s14 =	simm.s32 $0x5E00;
	s15 =	simm.s32 $0x1;
	s9 =	smul.u32 $0x14000, s1  }
0x7: {  	s16 =	simm.s32 $0x0;
	[smem:$0x7FF] =	sst s3;
	s11 =	smul.u32 $0x50000, s1  }
0x8: {  	s31 =	sshll.u32 s1, $0x6;
	p0 =	seq.s32 s7, $0x0;
	s8 =	smul.u32 $0x140000, s7  }
0x9: {  	_ =	strace $0x8000004D;
	s7 =	ssub.s32 $0x2, s7;
	s5 =	sadd.s32 $0x5E000, s5  }
0xa: {  	s29 =	sshrl.u32 s7, $0x1;
	s30 =	sshrl.u32 s11, $0x2;
	s5 =	smov.u32 @p0 s4  }
0xb: {  	s4 =	sadd.s32 $0x73A00, s6;
	s28 =	sadd.s32 s9, s8;
	s13 =	ssub.s32 s7, s29  }
0xc: {  	s11 =	sadd.s32 s30, s2;
	s7 =	sor.u32 $0x1C02, s31;
	s5 =	sshrl.u32 s5, $0x3  }
0xd: {  	s8 =	sshrl.u32 s28, $0x3;
	s11 =	sshrl.u32 s11, $0x3;
	s10 =	sadd.s32 s5, s6  }
0xe: {  	s5 =	sadd.s32 $0xCC00, s6;
	s12 =	sadd.s32 s8, s6;
	s6 =	simm.s32 $0x5E  }
0xf: {  	s6 =	simm.s32 @!p0 $0x3F;
	s8 =	sadd.s32 $0x5FC00, s10;
	s9 =	sadd.s32 $0x9BA00, s12  }
0x10: {  	s10 =	smax.u32 s13, $0x1;
	s12 =	simm.s32 $0x2;
	s13 =	simm.s32 $0x80  }
.LBB2_1:
0x11: {  	[spmem:s11], [sflag:s7] =	dma.local [hbm:s5], $0x2800  }
0x12: {  	_ =	swait.ge [sflag:s12], $0x2800  }
0x13: {  	[sflag:s12] =	ssyncset.done $0x0  }
0x14: {  	[sflag:s12] =	ssyncadd.s32 $0xFFFFD800  }
0x15: {  	[tilespmem:s3], [sflag:$0x2] =	stream.linear.gather [hbm4b:s8+s3], $0x5E00, $0x38;
	[tilespmem:$0x1DE00] =	vst v63  }
0x16: {  	_ =	swait.ge [sflag:s12], $0x5E00  }
0x17: {  	[sflag:s12] =	ssyncset.done $0x0  }
0x18: {  	[sflag:s12] =	ssyncadd.s32 $0xFFFFA200  }
0x19: {  	[bflag:$0x0] =	sbarrier.arrive $0xFFFF  }
0x1a: {  	[tilespmem:s14], [sflag:$0x1] =	stream.indirect.gather [hbm4b:s4+s13], $0x80, s3, s13, $0xb8;
	[tilespmem:$0x1DE00] =	vst v63  }
0x1b: {  	p0 =	sne.s32 s6, $0x1;
	_ =	swait.ge [sflag:s15], $0x4000  }
.Ltmp0:
0x1c: {  	[sflag:s15] =	ssyncset.done $0x0;
	(pc) =	sbr.rel @!p0 .LBB2_3-.Ltmp0, $4  }
0x1d: {  	s17 =	simm.s32 $0x80;
	[sflag:s15] =	ssyncadd.s32 $0xFFFFC000  }
0x1e: {  	[spmem:s2] =	stream.indirect.scatter.add.f32 [tilespmem:s14], [sflag:$0x2], $0x80, s17, s13, $0xb8;
	[tilespmem:$0x1DE00] =	vst v63  }
0x1f: {  	_ =	swait.ge [sflag:s12], $0x4000  }
0x20: {  	s18 =	simm.s32 $0x0;
	s17 =	sadd.s32 $0xFFFFFFFF, s6;
	[sflag:s12] =	ssyncset.done $0x0  }
.LBB2_2:
0x21: {  	p0 =	sne.s32 s17, $0x1;
	[sflag:s12] =	ssyncadd.s32 $0xFFFFC000;
	s18 =	sadd.s32 $0x100, s18  }
0x22: {  	[tilespmem:s14], [sflag:$0x1] =	stream.indirect.gather [hbm4b:s4+s13], $0x80, s18, s13, $0xb8;
	[tilespmem:$0x1DE00] =	vst v63  }
0x23: {  	s17 =	sadd.s32 $0xFFFFFFFF, s17;
	_ =	swait.ge [sflag:s15], $0x4000  }
.Ltmp1:
0x24: {  	[sflag:s15] =	ssyncset.done $0x0;
	(pc) =	sbr.rel @p0 .LBB2_2-.Ltmp1, $4  }
0x25: {  	s19 =	sadd.s32 $0x80, s18;
	[sflag:s15] =	ssyncadd.s32 $0xFFFFC000  }
0x26: {  	[spmem:s2] =	stream.indirect.scatter.add.f32 [tilespmem:s14], [sflag:$0x2], $0x80, s19, s13, $0xb8;
	[tilespmem:$0x1DE00] =	vst v63  }
0x27: {  	_ =	swait.ge [sflag:s12], $0x4000  }
0x28: {  	[sflag:s12] =	ssyncset.done $0x0  }
.LBB2_3:
0x29: {  	s16 =	sadd.s32 $0x1, s16  }
0x2a: {  	[sflag:s12] =	ssyncadd.s32 $0xFFFFC000;
	p0 =	sne.s32 s16, s10  }
.Ltmp2:
0x2b: {  	[bflag:$0x0] =	sbarrier.arrive $0xFFFF;
	(pc) =	sbr.rel @p0 .LBB2_1-.Ltmp2, $4  }
0x2c: {  	[hbm:s9], [sflag:s7] =	dma.local [spmem:s11], $0x2800  }
0x2d: {  	_ =	swait.ge [sflag:s12], $0x2800  }
0x2e: {  	[sflag:s12] =	ssyncset.done $0x0  }
0x2f: {  	[sflag:s12] =	ssyncadd.s32 $0xFFFFD800  }
0x30: {  	_ =	sfence.sel $0x180000  }
0x31: {  	[bflag:$0x0] =	sbarrier.arrive $0xFFFF  }
0x32: {  	p0 =	sne.s32 s1, $0x0;
	_ =	strace $0x9000004D  }
0x33: {  	s0 =	sadd.s32 @!p0 $0x100000, s0;
	[bflag:$0x2] =	sbarrier.arrive $0xFFFF  }
0x34: {  	[sflag:s0] =	ssyncadd.tile.s32 @!p0 $0x1;
	_ =	shalt  }
.Lfunc_end2:
_tile_overlayer_lowered:
.L_overlay_start_2:
0x35: {  	(tag) =	ssettag $0x2  }
0x36: {  	s0 =	rddreg [dreg:$0x0];
	s2 =	stileid.u32  }
0x37: {  	s1 =	rddreg [dreg:$0x1];
	p0 =	sne.s32 s2, $0x0  }
0x38: {  	s3 =	rddreg [dreg:$0x2];
	[bflag:$0x3] =	sbarrier.arrive $0xFFFF;
	s2 =	simm.s32 @!p0 $0x1C02  }
0x39: {  	[timem:s3], [sflag:s2] =	dma.local @!p0 [hbm:s0], s1  }
0x3a: {  	s0 =	simm.s32 @!p0 $0x2  }
0x3b: {  	_ =	swait.ge @!p0 [sflag:s0], s1  }
0x3c: {  	s1 =	ssub.s32 @!p0 $0x0, s1;
	[sflag:s0] =	ssyncset.done @!p0 $0x0  }
0x3d: {  	[sflag:s0] =	ssyncadd.s32 @!p0 s1  }
0x3e: {  	[bflag:$0x3] =	sbarrier.arrive $0xFFFF  }
0x3f: {  	_ =	shalt  }

// kernel: kernel.19.cloned.1.call-start
scs
__scs_entry_jumppad:
0x0: {  	(pc) =	sbr.rel $0x88, $3  }
0x1: {  	(tag) =	ssettag $0x0;
	lr =	simm.s32 $0x1  }
0x2: {  	[smem:$0x3F98] =	sst lr;
	_ =	strace $0xD0000000  }
0x3: {  	_ = 	snop  }
0x4: {  	_ = 	snop  }
0x5: {  	_ = 	snop  }
0x6: {  	_ = 	snop  }
0x7: {  	_ = 	snop  }
__scs_overlays_trampoline_lowered:
0x8: {  	[smem:$0x3FA7] =	sst s0  }
0x9: {  	[smem:$0x3FA8] =	sst s1  }
0xa: {  	[smem:$0x3FA9] =	sst s2  }
0xb: {  	[smem:$0x3FAA] =	sst s3  }
0xc: {  	[smem:$0x3FAB] =	sst s4  }
0xd: {  	[smem:$0x3FAC] =	sst s5  }
0xe: {  	[smem:$0x3FAD] =	sst s6  }
0xf: {  	[smem:$0x3FAE] =	sst s7  }
0x10: {  	[smem:$0x3FAF] =	sst s8  }
0x11: {  	[smem:$0x3FB0] =	sst s9;
	s0 =	simm.s32 @!p0 $0x0  }
0x12: {  	s1 =	sld [smem:$0x3F96];
	s0 =	simm.s32 @p0 $0x1  }
0x13: {  	[smem:$0x3FB1] =	sst s0;
	s0 =	simm.s32 @!p1 $0x0  }
0x14: {  	s2 =	sld [smem:$0x3F95];
	s0 =	simm.s32 @p1 $0x1  }
0x15: {  	[smem:$0x3FB2] =	sst s0;
	s0 =	simm.s32 @!p2 $0x0  }
0x16: {  	s3 =	sld [smem:$0x3FDB];
	s0 =	simm.s32 @p2 $0x1  }
0x17: {  	s4 =	simm.s32 $0x1BF5;
	[smem:$0x3FB4] =	sst s0  }
0x18: {  	s0 =	sld [smem:$0x3F97];
	_ =	swait.ge [sflag:s4], $0x0  }
0x19: {  	s7 =	sld [smem:$0x3F98]  }
0x1a: {  	s8 =	sadd.s32 $0xFFFFE003, lr  }
0x1b: {  	s9 =	sadd.s32 $0xFFFFFEF7, lr;
	s5 =	simm.s32 $0xFFFFFFFF;
	p2 =	slt.u32 s8, $0xFFFFF086  }
0x1c: {  	p1 =	slt.u32 s9, $0xF7A;
	s5 =	simm.s32 @!p2 $0x0  }
0x1d: {  	s5 =	simm.s32 @p1 $0x1;
	p0 =	seq.s32 s7, s2  }
0x1e: {  	s7 =	smul.u32 @!p0 $0xF7A, s2;
	p2 =	seq.s32 @!p0 s5, $0x0  }
0x1f: {  	s9 =	smul.u32 $0xF7A, s1;
	s8 =	simm.s32 @!p0 $0x1BF5;
	p2 =	por !p2, p0  }
0x20: {  	[sflag:s8] =	ssyncset.s32 @!p0 $0xFFFFF086;
	s6 =	sadd.s32 @!p0 s3, s7;
	s7 =	simm.s32 @!p0 $0x108  }
0x21: {  	s3 =	sadd.s32 s3, s9;
	s6 =	sadd.s32 @!p0 $0x88, s6;
	s7 =	simm.s32 @p2 $0x1082  }
0x22: {  	[simem:s7], [sflag:s8] =	dma.local @!p0 [hbm:s6], $0xF7A  }
0x23: {  	s9 =	sor.u32 $0xD0000000, s2;
	s6 =	simm.s32 $0x108;
	_ =	swait.ge @!p0 [sflag:s8], $0x0  }
0x24: {  	s3 =	sadd.s32 $0x88, s3;
	s6 =	simm.s32 @!p1 $0x1082;
	[sflag:s4] =	ssyncset.s32 $0xFFFFF086  }
0x25: {  	[simem:s6], [sflag:s4] =	dma.local [hbm:s3], $0xF7A  }
0x26: {  	[smem:$0x3F98] =	sst s1;
	(tag) =	ssettag s2;
	_ =	strace s9  }
0x27: {  	s1 =	sld [smem:$0x3FA8]  }
0x28: {  	s2 =	sld [smem:$0x3FA9]  }
0x29: {  	s4 =	sld [smem:$0x3FAB]  }
0x2a: {  	p0 =	seq.s32 s5, $0x0;
	s5 =	sld [smem:$0x3FAC]  }
0x2b: {  	s6 =	sld [smem:$0x3FAD]  }
0x2c: {  	s7 =	sld [smem:$0x3FAE]  }
0x2d: {  	s3 =	simm.s32 $0x108;
	s8 =	sld [smem:$0x3FAF]  }
0x2e: {  	s3 =	simm.s32 @!p0 $0x1082;
	s9 =	sld [smem:$0x3FB0]  }
0x2f: {  	lr =	sadd.s32 s0, s3;
	s0 =	sld [smem:$0x3FA7]  }
0x30: {  	s3 =	sld [smem:$0x3FAA]  }
0x31: {  	[smem:$0x3FB3] =	sst s10  }
0x32: {  	s10 =	sld [smem:$0x3FB1];
	_ =	sdelay $0x3  }
0x33: {  	p0 =	seq.s32 s10, $0x1;
	s10 =	sld [smem:$0x3FB3];
	_ =	sdelay $0x3  }
0x34: {  	[smem:$0x3FB3] =	sst s10  }
0x35: {  	s10 =	sld [smem:$0x3FB2];
	_ =	sdelay $0x3  }
0x36: {  	p1 =	seq.s32 s10, $0x1;
	s10 =	sld [smem:$0x3FB3];
	_ =	sdelay $0x3  }
0x37: {  	[smem:$0x3FB3] =	sst s10  }
0x38: {  	s10 =	sld [smem:$0x3FB4]  }
0x39: {  	_ = 	snop;
	(pc) =	sbr.ind lr, $3  }
0x3a: {  	_ = 	snop  }
0x3b: {  	_ = 	snop  }
0x3c: {  	p2 =	seq.s32 s10, $0x1;
	s10 =	sld [smem:$0x3FB3]  }
0x3d: {  	_ =	shalt  }
0x3e: {  	_ =	shalt  }
0x3f: {  	_ =	shalt  }
0x40: {  	_ =	shalt  }
0x41: {  	_ =	shalt  }
0x42: {  	_ =	shalt  }
0x43: {  	_ =	shalt  }
0x44: {  	_ =	shalt  }
0x45: {  	_ =	shalt  }
0x46: {  	_ =	shalt  }
0x47: {  	_ =	shalt  }
0x48: {  	_ =	shalt  }
0x49: {  	_ =	shalt  }
0x4a: {  	_ =	shalt  }
0x4b: {  	_ =	shalt  }
0x4c: {  	_ =	shalt  }
0x4d: {  	_ =	shalt  }
0x4e: {  	_ =	shalt  }
0x4f: {  	_ =	shalt  }
0x50: {  	_ =	shalt  }
0x51: {  	_ =	shalt  }
0x52: {  	_ =	shalt  }
0x53: {  	_ =	shalt  }
0x54: {  	_ =	shalt  }
0x55: {  	_ =	shalt  }
0x56: {  	_ =	shalt  }
0x57: {  	_ =	shalt  }
0x58: {  	_ =	shalt  }
0x59: {  	_ =	shalt  }
0x5a: {  	_ =	shalt  }
0x5b: {  	_ =	shalt  }
0x5c: {  	_ =	shalt  }
0x5d: {  	_ =	shalt  }
0x5e: {  	_ =	shalt  }
0x5f: {  	_ =	shalt  }
0x60: {  	_ =	shalt  }
0x61: {  	_ =	shalt  }
0x62: {  	_ =	shalt  }
0x63: {  	_ =	shalt  }
0x64: {  	_ =	shalt  }
0x65: {  	_ =	shalt  }
0x66: {  	_ =	shalt  }
0x67: {  	_ =	shalt  }
0x68: {  	_ =	shalt  }
0x69: {  	_ =	shalt  }
0x6a: {  	_ =	shalt  }
0x6b: {  	_ =	shalt  }
0x6c: {  	_ =	shalt  }
0x6d: {  	_ =	shalt  }
0x6e: {  	_ =	shalt  }
0x6f: {  	_ =	shalt  }
0x70: {  	_ =	shalt  }
0x71: {  	_ =	shalt  }
0x72: {  	_ =	shalt  }
0x73: {  	_ =	shalt  }
0x74: {  	_ =	shalt  }
0x75: {  	_ =	shalt  }
0x76: {  	_ =	shalt  }
0x77: {  	_ =	shalt  }
0x78: {  	_ =	shalt  }
0x79: {  	_ =	shalt  }
0x7a: {  	_ =	shalt  }
0x7b: {  	_ =	shalt  }
0x7c: {  	_ =	shalt  }
0x7d: {  	_ =	shalt  }
0x7e: {  	_ =	shalt  }
0x7f: {  	_ =	shalt  }
0x80: {  	_ =	shalt  }
0x81: {  	_ =	shalt  }
0x82: {  	_ =	shalt  }
0x83: {  	_ =	shalt  }
0x84: {  	_ =	shalt  }
0x85: {  	_ =	shalt  }
0x86: {  	_ =	shalt  }
0x87: {  	_ =	shalt  }
.Lfunc_end0:
.L_simem_size_0:
called_computation.3_lowered:
.L_overlay_start_0:
0x88: {  	s2 =	sld [smem:$0x3FD9]  }
0x89: {  	s3 =	sld [smem:$0x3FFE];
	_ =	sdelay $0x1  }
0x8a: {  	s1 =	srdreg.scid  }
0x8b: {  	s0 =	sand.u32 $0x1, s1  }
0x8c: {  	s16 =	sshll.u32 s0, $0xA;
	s2 =	sadd.s32 s3, s2  }
0x8d: {  	s2 =	sadd.s32 s2, s16  }
0x8e: {  	[smem:$0x3FBF] =	sst s2  }
0x8f: {  	_ = 	snop  }
0x90: {  	(tm) =	ssettm $0x1  }
0x91: {  	s17 =	sld [smem:$0x3FFB];
	_ =	sdelay $0x3  }
0x92: {  	_ =	strace s17  }
0x93: {  	s2 =	sld [smem:$0x3FFC];
	_ =	sdelay $0x3  }
0x94: {  	_ =	strace s2  }
0x95: {  	s2 =	sld [smem:$0x3FFD];
	_ =	sdelay $0x3  }
0x96: {  	_ =	strace s2  }
0x97: {  	_ =	strace $0x8FFFFFFF  }
0x98: {  	s18 =	sld [smem:$0x3FDB];
	_ =	sdelay $0x1  }
0x99: {  	s19 =	simm.s32 $_scs_section_size  }
0x9a: {  	s4 =	simm.s32 $_size__tile_overlayer_lowered;
	s5 =	simm.s32 $_tile_overlayer_lowered  }
0x9b: {  	s22 =	simm.s32 $0x1BFF;
	s21 =	sshll.u32 s5, $0x1;
	s2 =	sadd.s32 s19, s18  }
0x9c: {  	s6 =	simm.s32 $0x0;
	s20 =	sshll.u32 s4, $0x1;
	s4 =	sadd.s32 s21, s2  }
0x9d: {  	[timem:s6], [sflag:s22] =	dma.local [hbm:s4], s20  }
0x9e: {  	_ =	swait.ge [sflag:s22], s20  }
0x9f: {  	s3 =	ssub.s32 $0x0, s20;
	[sflag:s22] =	ssyncset.done $0x0  }
0xa0: {  	[sflag:s22] =	ssyncadd.s32 s3;
	_ =	sdelay $0x1  }
0xa1: {  	s23 =	simm.s32 $0x1B8B  }
0xa2: {  	_ =	swait.ge [sflag:s23], $0x1  }
0xa3: {  	[sflag:s23] =	ssyncset.done $0x0  }
0xa4: {  	s25 =	simm.s32 $0x1B8E;
	s24 =	sld [smem:$0x3FFE];
	[sflag:s23] =	ssyncadd.s32 $0xFFFFFFFF  }
0xa5: {  	s26 =	simm.s32 $execute0_lowered;
	[smem:$0x3FD2] =	sst s25  }
0xa6: {  	s4 =	sshll.u32 s26, $0x1;
	_ =	strace $0x8000004F;
	[dreg:$0x1] =	wrdreg $0xFFFFFFFF  }
0xa7: {  	s28 =	simm.s32 $_size_execute0_lowered;
	s2 =	sadd.s32 s2, s4;
	[dreg:$0x0] =	wrdreg $0x0  }
0xa8: {  	s4 =	sshll.u32 s28, $0x1;
	[dreg:$0x2] =	wrdreg s2  }
0xa9: {  	[dreg:$0x3] =	wrdreg s4  }
0xaa: {  	[dreg:$0x4] =	wrdreg $0xC0  }
0xab: {  	_ =	task [dreg:s6], $0x5FFFF  }
0xac: {  	[dreg:$0x1] =	wrdreg $0xFFFFFFFF  }
0xad: {  	[dreg:$0x0] =	wrdreg $0x60  }
0xae: {  	[dreg:$0x2] =	wrdreg s24  }
0xaf: {  	[dreg:$0x3] =	wrdreg $0x9E000  }
0xb0: {  	[dreg:$0x4] =	wrdreg $0x9  }
0xb1: {  	_ =	task.clear_ibuf [dreg:s6], $0x5FFFF;
	_ =	strace $0x9000004F  }
0xb2: {  	s29 =	simm.s32 $0x9;
	_ =	strace $0x80000051  }
0xb3: {  	_ =	swait.ge [sflag:s29], $0x1  }
0xb4: {  	[sflag:s29] =	ssyncadd.s32 $0xFFFFFFFF  }
0xb5: {  	_ =	strace $0x90000051  }
0xb6: {  	_ =	sfence  }
0xb7: {  	s30 =	sld [smem:$0x0];
	_ =	sdelay $0x2  }
0xb8: {  	s31 =	sshll.u32 s1, $0xD;
	s1 =	sshrl.u32 s1, $0x2  }
0xb9: {  	s3 =	sand.u32 $0x4000, s31;
	s1 =	sadd.s32 s1, s30  }
0xba: {  	s0 =	sor.u32 s3, s0;
	s1 =	sshll.u32 s1, $0x11  }
0xbb: {  	s0 =	sor.u32 s1, s0  }
0xbc: {  	s0 =	sadd.s32 $0x8F2B, s0  }
0xbd: {  	[sflag:s0] =	ssyncadd.remote.s32 $0x1  }
0xbe: {  	_ =	sfence.sel $0xFFFF  }
0xbf: {  	[dreg:$0x0] =	wrdreg $0xFFFFFFFF;
	(pc) =	sbr.abs _section_cstart, $3  }
0xc0: {  	[dreg:$0x1] =	wrdreg $0xFFFFFFFF  }
0xc1: {  	_ =	task.clear_ibuf [dreg:s6], $0x2FFFF;
	_ =	strace $0x9FFFFFFF  }
0xc2: {  	(tm) =	ssettm $0x7FFFFFFF  }
0xc3: {  	_ =	shalt  }
tec
execute0_lowered:
.L_overlay_start_1:
0x0: {  	(tag) =	ssettag $0x1  }
0x1: {  	s6 =	rddreg [dreg:$0x0]  }
0x2: {  	s2 =	rddreg [dreg:$0x1]  }
0x3: {  	s0 =	rddreg [dreg:$0x2];
	s1 =	stileid.u32  }
0x4: {  	s4 =	srdreg.scid;
	s5 =	smul.u32 $0x3F00, s1  }
0x5: {  	s3 =	simm.s32 $0x0;
	s7 =	sand.u32 $0x1, s4;
	s4 =	smul.u32 $0x5E00, s1  }
0x6: {  	s14 =	simm.s32 $0x5E00;
	s15 =	simm.s32 $0x1;
	s9 =	smul.u32 $0x14000, s1  }
0x7: {  	s16 =	simm.s32 $0x0;
	[smem:$0x7FF] =	sst s3;
	s11 =	smul.u32 $0x50000, s1  }
0x8: {  	s31 =	sshll.u32 s1, $0x6;
	p0 =	seq.s32 s7, $0x0;
	s8 =	smul.u32 $0x140000, s7  }
0x9: {  	_ =	strace $0x80000050;
	s7 =	ssub.s32 $0x2, s7;
	s5 =	sadd.s32 $0x5E000, s5  }
0xa: {  	s29 =	sshrl.u32 s7, $0x1;
	s30 =	sshrl.u32 s11, $0x2;
	s5 =	smov.u32 @p0 s4  }
0xb: {  	s4 =	sadd.s32 $0x73A00, s6;
	s28 =	sadd.s32 s9, s8;
	s13 =	ssub.s32 s7, s29  }
0xc: {  	s11 =	sadd.s32 s30, s2;
	s7 =	sor.u32 $0x1C02, s31;
	s5 =	sshrl.u32 s5, $0x3  }
0xd: {  	s8 =	sshrl.u32 s28, $0x3;
	s11 =	sshrl.u32 s11, $0x3;
	s10 =	sadd.s32 s5, s6  }
0xe: {  	s5 =	sadd.s32 $0xCC00, s6;
	s12 =	sadd.s32 s8, s6;
	s6 =	simm.s32 $0x5E  }
0xf: {  	s6 =	simm.s32 @!p0 $0x3F;
	s8 =	sadd.s32 $0x5FC00, s10;
	s9 =	sadd.s32 $0x9BA00, s12  }
0x10: {  	s10 =	smax.u32 s13, $0x1;
	s12 =	simm.s32 $0x2;
	s13 =	simm.s32 $0x80  }
.LBB2_1:
0x11: {  	[spmem:s11], [sflag:s7] =	dma.local [hbm:s5], $0x2800  }
0x12: {  	_ =	swait.ge [sflag:s12], $0x2800  }
0x13: {  	[sflag:s12] =	ssyncset.done $0x0  }
0x14: {  	[sflag:s12] =	ssyncadd.s32 $0xFFFFD800  }
0x15: {  	[tilespmem:s3], [sflag:$0x2] =	stream.linear.gather [hbm4b:s8+s3], $0x5E00, $0x38;
	[tilespmem:$0x1DE00] =	vst v63  }
0x16: {  	_ =	swait.ge [sflag:s12], $0x5E00  }
0x17: {  	[sflag:s12] =	ssyncset.done $0x0  }
0x18: {  	[sflag:s12] =	ssyncadd.s32 $0xFFFFA200  }
0x19: {  	[bflag:$0x0] =	sbarrier.arrive $0xFFFF  }
0x1a: {  	[tilespmem:s14], [sflag:$0x1] =	stream.indirect.gather [hbm4b:s4+s13], $0x80, s3, s13, $0xb8;
	[tilespmem:$0x1DE00] =	vst v63  }
0x1b: {  	p0 =	sne.s32 s6, $0x1;
	_ =	swait.ge [sflag:s15], $0x4000  }
.Ltmp0:
0x1c: {  	[sflag:s15] =	ssyncset.done $0x0;
	(pc) =	sbr.rel @!p0 .LBB2_3-.Ltmp0, $4  }
0x1d: {  	s17 =	simm.s32 $0x80;
	[sflag:s15] =	ssyncadd.s32 $0xFFFFC000  }
0x1e: {  	[spmem:s2] =	stream.indirect.scatter.add.f32 [tilespmem:s14], [sflag:$0x2], $0x80, s17, s13, $0xb8;
	[tilespmem:$0x1DE00] =	vst v63  }
0x1f: {  	_ =	swait.ge [sflag:s12], $0x4000  }
0x20: {  	s18 =	simm.s32 $0x0;
	s17 =	sadd.s32 $0xFFFFFFFF, s6;
	[sflag:s12] =	ssyncset.done $0x0  }
.LBB2_2:
0x21: {  	p0 =	sne.s32 s17, $0x1;
	[sflag:s12] =	ssyncadd.s32 $0xFFFFC000;
	s18 =	sadd.s32 $0x100, s18  }
0x22: {  	[tilespmem:s14], [sflag:$0x1] =	stream.indirect.gather [hbm4b:s4+s13], $0x80, s18, s13, $0xb8;
	[tilespmem:$0x1DE00] =	vst v63  }
0x23: {  	s17 =	sadd.s32 $0xFFFFFFFF, s17;
	_ =	swait.ge [sflag:s15], $0x4000  }
.Ltmp1:
0x24: {  	[sflag:s15] =	ssyncset.done $0x0;
	(pc) =	sbr.rel @p0 .LBB2_2-.Ltmp1, $4  }
0x25: {  	s19 =	sadd.s32 $0x80, s18;
	[sflag:s15] =	ssyncadd.s32 $0xFFFFC000  }
0x26: {  	[spmem:s2] =	stream.indirect.scatter.add.f32 [tilespmem:s14], [sflag:$0x2], $0x80, s19, s13, $0xb8;
	[tilespmem:$0x1DE00] =	vst v63  }
0x27: {  	_ =	swait.ge [sflag:s12], $0x4000  }
0x28: {  	[sflag:s12] =	ssyncset.done $0x0  }
.LBB2_3:
0x29: {  	s16 =	sadd.s32 $0x1, s16  }
0x2a: {  	[sflag:s12] =	ssyncadd.s32 $0xFFFFC000;
	p0 =	sne.s32 s16, s10  }
.Ltmp2:
0x2b: {  	[bflag:$0x0] =	sbarrier.arrive $0xFFFF;
	(pc) =	sbr.rel @p0 .LBB2_1-.Ltmp2, $4  }
0x2c: {  	[hbm:s9], [sflag:s7] =	dma.local [spmem:s11], $0x2800  }
0x2d: {  	_ =	swait.ge [sflag:s12], $0x2800  }
0x2e: {  	[sflag:s12] =	ssyncset.done $0x0  }
0x2f: {  	[sflag:s12] =	ssyncadd.s32 $0xFFFFD800  }
0x30: {  	_ =	sfence.sel $0x180000  }
0x31: {  	[bflag:$0x0] =	sbarrier.arrive $0xFFFF  }
0x32: {  	p0 =	sne.s32 s1, $0x0;
	_ =	strace $0x90000050  }
0x33: {  	s0 =	sadd.s32 @!p0 $0x100000, s0;
	[bflag:$0x2] =	sbarrier.arrive $0xFFFF  }
0x34: {  	[sflag:s0] =	ssyncadd.tile.s32 @!p0 $0x1;
	_ =	shalt  }
.Lfunc_end2:
_tile_overlayer_lowered:
.L_overlay_start_2:
0x35: {  	(tag) =	ssettag $0x2  }
0x36: {  	s0 =	rddreg [dreg:$0x0];
	s2 =	stileid.u32  }
0x37: {  	s1 =	rddreg [dreg:$0x1];
	p0 =	sne.s32 s2, $0x0  }
0x38: {  	s3 =	rddreg [dreg:$0x2];
	[bflag:$0x3] =	sbarrier.arrive $0xFFFF;
	s2 =	simm.s32 @!p0 $0x1C02  }
0x39: {  	[timem:s3], [sflag:s2] =	dma.local @!p0 [hbm:s0], s1  }
0x3a: {  	s0 =	simm.s32 @!p0 $0x2  }
0x3b: {  	_ =	swait.ge @!p0 [sflag:s0], s1  }
0x3c: {  	s1 =	ssub.s32 @!p0 $0x0, s1;
	[sflag:s0] =	ssyncset.done @!p0 $0x0  }
0x3d: {  	[sflag:s0] =	ssyncadd.s32 @!p0 s1  }
0x3e: {  	[bflag:$0x3] =	sbarrier.arrive $0xFFFF  }
0x3f: {  	_ =	shalt  }

</sc_bundles>
